<compile_context>
chip_gen: v7x
topology: tpu7x:2x2x1
jax: 0.10.2.dev20260603
libtpu: 0.0.44.dev20260713+nightly
codegen_flags: <defaults>
</compile_context>

<pallas_src>
import functools

import jax
import jax.numpy as jnp
from jax import lax
from jax.experimental import pallas as pl
from jax.experimental.pallas import tpu as pltpu
from jax.experimental.pallas import tpu_sc as plsc

_CHUNK = 64
_NBUF = 2


def kernel(x, W):
    B = x.shape[0]
    N, D = W.shape
    info = plsc.get_sparse_core_info()
    NC, NS = info.num_cores, info.num_subcores
    NW = NC * NS
    rows_per_w = N // NW
    n_chunks = rows_per_w // _CHUNK
    mesh = plsc.VectorSubcoreMesh(core_axis_name="c", subcore_axis_name="s")

    @functools.partial(
        pl.kernel,
        mesh=mesh,
        out_type=jax.ShapeDtypeStruct((B, N, D), W.dtype),
        scratch_types=[
            pltpu.VMEM((_NBUF, _CHUNK, D), W.dtype),
            pltpu.SemaphoreType.DMA((_NBUF,)),
            pltpu.SemaphoreType.DMA((_NBUF,)),
        ],
    )
    def run(w_hbm, o_hbm, buf, in_sem, out_sem):
        wid = lax.axis_index("s") * NC + lax.axis_index("c")
        base = wid * rows_per_w

        def in_copy(c, s):
            return pltpu.make_async_copy(
                w_hbm.at[pl.ds(base + c * _CHUNK, _CHUNK), :],
                buf.at[s],
                in_sem.at[s],
            )

        def out_copy(c, s, b):
            return pltpu.make_async_copy(
                buf.at[s],
                o_hbm.at[b, pl.ds(base + c * _CHUNK, _CHUNK), :],
                out_sem.at[s],
            )

        in_copy(0, 0).start()
        for c in range(n_chunks):
            s = c % _NBUF
            if c + 1 < n_chunks:
                nxt = (c + 1) % _NBUF
                if c + 1 >= _NBUF:
                    for b in range(B):
                        out_copy(c + 1 - _NBUF, nxt, b).wait()
                in_copy(c + 1, nxt).start()
            in_copy(c, s).wait()
            for b in range(B):
                out_copy(c, s, b).start()
        for c in range(max(n_chunks - _NBUF, 0), n_chunks):
            for b in range(B):
                out_copy(c, c % _NBUF, b).wait()

    return run(W)

# --- scband reference (transcript-rebuilt; emitter-appended) ---
"""Pipeline reference for scband-position-embedding-learned-53300544143911 (READ-ONLY COPY).

The authoritative reference and input builder live on the scoring server;
editing this copy changes nothing except your own understanding.
"""

import jax, jax.numpy as jnp
import numpy as np

IN_DIM = 8192
OUT_DIM = 768

def setup_inputs(seed: int = 0) -> dict:
    key = jax.random.key(seed)
    kx, kw = jax.random.split(key)
    x = jax.random.normal(kx, (4, 8192, 768), dtype=jnp.float32)
    # nn.init.uniform_ -> uniform [0, 1)
    W = jax.random.uniform(kw, (IN_DIM, OUT_DIM), dtype=jnp.float32)
    return {"x": x, "W": W}

def reference(x, W):
    n = x.shape[1]
    i = jnp.arange(n)
    pos = jnp.take(W, i, axis=0)  # [n, out_dim] embedding lookup
    pos = jnp.tile(pos[None, :, :], (x.shape[0], 1, 1))  # unsqueeze(0).repeat(B,1,1)
    return pos

if __name__ == "__main__":
    import jax
    _d = setup_inputs()
    print(jax.jit(kernel)(*tuple(_d.values())))

</pallas_src>

<mosaic_0001>
#map = affine_map<(d0, d1) -> (0, 0)>
#map1 = affine_map<(d0, d1) -> (0, 0, 0)>
module attributes {stable_mosaic.version = 14 : i64} {
  func.func @run(%arg0: i32, %arg1: i32, %arg2: memref<8192x768xf32, #tpu.memory_space<hbm>>, %arg3: memref<4x8192x768xf32, #tpu.memory_space<hbm>>, %arg4: memref<2x64x768xf32, #tpu.memory_space<vmem>>, %arg5: memref<2x!tpu.dma_semaphore, #tpu.memory_space<semaphore_mem>>, %arg6: memref<2x!tpu.dma_semaphore, #tpu.memory_space<semaphore_mem>>) attributes {dimension_semantics = [#tpu.dimension_semantics<core_parallel>, #tpu.dimension_semantics<subcore_parallel>], iteration_bounds = array<i64: 2, 16>, scalar_prefetch = 0 : i64, scratch_operands = 3 : i64, tpu.core_type = #tpu.core_type<sc_vector_subcore>, window_params = [{transform_indices = #map}, {transform_indices = #map1}]} {
    %mul3A = arith.constant 2 : i32
    %mul3A_0 = arith.muli %arg1, %mul3A : i32
    %add3A = arith.addi %mul3A_0, %arg0 : i32
    %mul3A_1 = arith.constant 256 : i32
    %mul3A_2 = arith.muli %add3A, %mul3A_1 : i32
    %add3A_3 = arith.constant 0 : i32
    %add3A_4 = arith.addi %mul3A_2, %add3A_3 : i32
    %dma_start3A = arith.constant 0 : i32
    %dma_start3A_5 = arith.constant 0 : i32
    %dma_start3A_6 = arith.constant 0 : i32
    %dma_start3A_7 = arith.constant 0 : i32
    %dma_start3A_8 = tpu.memref_slice %arg4[%dma_start3A, %dma_start3A_6, %dma_start3A_7] : memref<2x64x768xf32, #tpu.memory_space<vmem>> -> memref<1x64x768xf32, #tpu.memory_space<vmem>>
    %dma_start3A_9 = tpu.memref_squeeze %dma_start3A_8 : memref<1x64x768xf32, #tpu.memory_space<vmem>> -> memref<64x768xf32, #tpu.memory_space<vmem>>
    %dma_start3A_10 = arith.constant 0 : i32
    %dma_start3A_11 = tpu.memref_slice %arg2[%add3A_4, %dma_start3A_10] : memref<8192x768xf32, #tpu.memory_space<hbm>> -> memref<64x768xf32, #tpu.memory_space<hbm>>
    %dma_start3A_12 = tpu.memref_slice %arg5[%dma_start3A_5] : memref<2x!tpu.dma_semaphore, #tpu.memory_space<semaphore_mem>> -> memref<1x!tpu.dma_semaphore, #tpu.memory_space<semaphore_mem>>
    %dma_start3A_13 = tpu.memref_squeeze %dma_start3A_12 : memref<1x!tpu.dma_semaphore, #tpu.memory_space<semaphore_mem>> -> memref<!tpu.dma_semaphore, #tpu.memory_space<semaphore_mem>>
    %dma_start3A_14 = arith.constant 0 : i32
    %dma_start3A_15 = arith.constant 0 : i32
    %dma_start3A_16 = tpu.memref_slice %arg4[%dma_start3A, %dma_start3A_14, %dma_start3A_15] : memref<2x64x768xf32, #tpu.memory_space<vmem>> -> memref<1x64x768xf32, #tpu.memory_space<vmem>>
    %dma_start3A_17 = tpu.memref_squeeze %dma_start3A_16 : memref<1x64x768xf32, #tpu.memory_space<vmem>> -> memref<64x768xf32, #tpu.memory_space<vmem>>
    %dma_start3A_18 = arith.constant 0 : i32
    %dma_start3A_19 = tpu.memref_slice %arg2[%add3A_4, %dma_start3A_18] : memref<8192x768xf32, #tpu.memory_space<hbm>> -> memref<64x768xf32, #tpu.memory_space<hbm>>
    tpu.enqueue_dma source(%dma_start3A_19 : memref<64x768xf32, #tpu.memory_space<hbm>>) target(%dma_start3A_17 : memref<64x768xf32, #tpu.memory_space<vmem>>) target_semaphore(%dma_start3A_13 : memref<!tpu.dma_semaphore, #tpu.memory_space<semaphore_mem>>)
    %add3A_20 = arith.constant 64 : i32
    %add3A_21 = arith.addi %mul3A_2, %add3A_20 : i32
    %dma_start3A_22 = arith.constant 1 : i32
    %dma_start3A_23 = arith.constant 1 : i32
    %dma_start3A_24 = arith.constant 0 : i32
    %dma_start3A_25 = arith.constant 0 : i32
    %dma_start3A_26 = tpu.memref_slice %arg4[%dma_start3A_22, %dma_start3A_24, %dma_start3A_25] : memref<2x64x768xf32, #tpu.memory_space<vmem>> -> memref<1x64x768xf32, #tpu.memory_space<vmem>>
    %dma_start3A_27 = tpu.memref_squeeze %dma_start3A_26 : memref<1x64x768xf32, #tpu.memory_space<vmem>> -> memref<64x768xf32, #tpu.memory_space<vmem>>
    %dma_start3A_28 = arith.constant 0 : i32
    %dma_start3A_29 = tpu.memref_slice %arg2[%add3A_21, %dma_start3A_28] : memref<8192x768xf32, #tpu.memory_space<hbm>> -> memref<64x768xf32, #tpu.memory_space<hbm>>
    %dma_start3A_30 = tpu.memref_slice %arg5[%dma_start3A_23] : memref<2x!tpu.dma_semaphore, #tpu.memory_space<semaphore_mem>> -> memref<1x!tpu.dma_semaphore, #tpu.memory_space<semaphore_mem>>
    %dma_start3A_31 = tpu.memref_squeeze %dma_start3A_30 : memref<1x!tpu.dma_semaphore, #tpu.memory_space<semaphore_mem>> -> memref<!tpu.dma_semaphore, #tpu.memory_space<semaphore_mem>>
    %dma_start3A_32 = arith.constant 0 : i32
    %dma_start3A_33 = arith.constant 0 : i32
    %dma_start3A_34 = tpu.memref_slice %arg4[%dma_start3A_22, %dma_start3A_32, %dma_start3A_33] : memref<2x64x768xf32, #tpu.memory_space<vmem>> -> memref<1x64x768xf32, #tpu.memory_space<vmem>>
    %dma_start3A_35 = tpu.memref_squeeze %dma_start3A_34 : memref<1x64x768xf32, #tpu.memory_space<vmem>> -> memref<64x768xf32, #tpu.memory_space<vmem>>
    %dma_start3A_36 = arith.constant 0 : i32
    %dma_start3A_37 = tpu.memref_slice %arg2[%add3A_21, %dma_start3A_36] : memref<8192x768xf32, #tpu.memory_space<hbm>> -> memref<64x768xf32, #tpu.memory_space<hbm>>
    tpu.enqueue_dma source(%dma_start3A_37 : memref<64x768xf32, #tpu.memory_space<hbm>>) target(%dma_start3A_35 : memref<64x768xf32, #tpu.memory_space<vmem>>) target_semaphore(%dma_start3A_31 : memref<!tpu.dma_semaphore, #tpu.memory_space<semaphore_mem>>)
    %add3A_38 = arith.constant 0 : i32
    %add3A_39 = arith.addi %mul3A_2, %add3A_38 : i32
    %dma_wait3A = arith.constant 0 : i32
    %dma_wait3A_40 = arith.constant 0 : i32
    %dma_wait3A_41 = arith.constant 0 : i32
    %dma_wait3A_42 = arith.constant 0 : i32
    %dma_wait3A_43 = tpu.memref_slice %arg4[%dma_wait3A, %dma_wait3A_41, %dma_wait3A_42] : memref<2x64x768xf32, #tpu.memory_space<vmem>> -> memref<1x64x768xf32, #tpu.memory_space<vmem>>
    %dma_wait3A_44 = tpu.memref_squeeze %dma_wait3A_43 : memref<1x64x768xf32, #tpu.memory_space<vmem>> -> memref<64x768xf32, #tpu.memory_space<vmem>>
    %dma_wait3A_45 = arith.constant 0 : i32
    %dma_wait3A_46 = tpu.memref_slice %arg2[%add3A_39, %dma_wait3A_45] : memref<8192x768xf32, #tpu.memory_space<hbm>> -> memref<64x768xf32, #tpu.memory_space<hbm>>
    %dma_wait3A_47 = tpu.memref_slice %arg5[%dma_wait3A_40] : memref<2x!tpu.dma_semaphore, #tpu.memory_space<semaphore_mem>> -> memref<1x!tpu.dma_semaphore, #tpu.memory_space<semaphore_mem>>
    %dma_wait3A_48 = tpu.memref_squeeze %dma_wait3A_47 : memref<1x!tpu.dma_semaphore, #tpu.memory_space<semaphore_mem>> -> memref<!tpu.dma_semaphore, #tpu.memory_space<semaphore_mem>>
    %dma_wait3A_49 = arith.constant 0 : i32
    %dma_wait3A_50 = arith.constant 0 : i32
    %dma_wait3A_51 = tpu.memref_slice %arg4[%dma_wait3A, %dma_wait3A_49, %dma_wait3A_50] : memref<2x64x768xf32, #tpu.memory_space<vmem>> -> memref<1x64x768xf32, #tpu.memory_space<vmem>>
    %dma_wait3A_52 = tpu.memref_squeeze %dma_wait3A_51 : memref<1x64x768xf32, #tpu.memory_space<vmem>> -> memref<64x768xf32, #tpu.memory_space<vmem>>
    %dma_wait3A_53 = arith.constant 0 : i32
    %dma_wait3A_54 = tpu.memref_slice %arg2[%add3A_39, %dma_wait3A_53] : memref<8192x768xf32, #tpu.memory_space<hbm>> -> memref<64x768xf32, #tpu.memory_space<hbm>>
    tpu.wait_dma2 semaphore(%dma_wait3A_48 : memref<!tpu.dma_semaphore, #tpu.memory_space<semaphore_mem>>) src(%dma_wait3A_54 : memref<64x768xf32, #tpu.memory_space<hbm>>) dst(%dma_wait3A_52 : memref<64x768xf32, #tpu.memory_space<vmem>>)
    %add3A_55 = arith.constant 0 : i32
    %add3A_56 = arith.addi %mul3A_2, %add3A_55 : i32
    %dma_start3A_57 = arith.constant 0 : i32
    %dma_start3A_58 = arith.constant 0 : i32
    %dma_start3A_59 = arith.constant 0 : i32
    %dma_start3A_60 = arith.constant 0 : i32
    %dma_start3A_61 = arith.constant 0 : i32
    %dma_start3A_62 = tpu.memref_slice %arg4[%dma_start3A_57, %dma_start3A_60, %dma_start3A_61] : memref<2x64x768xf32, #tpu.memory_space<vmem>> -> memref<1x64x768xf32, #tpu.memory_space<vmem>>
    %dma_start3A_63 = tpu.memref_squeeze %dma_start3A_62 : memref<1x64x768xf32, #tpu.memory_space<vmem>> -> memref<64x768xf32, #tpu.memory_space<vmem>>
    %dma_start3A_64 = arith.constant 0 : i32
    %dma_start3A_65 = tpu.memref_slice %arg3[%dma_start3A_58, %add3A_56, %dma_start3A_64] : memref<4x8192x768xf32, #tpu.memory_space<hbm>> -> memref<1x64x768xf32, #tpu.memory_space<hbm>>
    %dma_start3A_66 = tpu.memref_squeeze %dma_start3A_65 : memref<1x64x768xf32, #tpu.memory_space<hbm>> -> memref<64x768xf32, #tpu.memory_space<hbm>>
    %dma_start3A_67 = tpu.memref_slice %arg6[%dma_start3A_59] : memref<2x!tpu.dma_semaphore, #tpu.memory_space<semaphore_mem>> -> memref<1x!tpu.dma_semaphore, #tpu.memory_space<semaphore_mem>>
    %dma_start3A_68 = tpu.memref_squeeze %dma_start3A_67 : memref<1x!tpu.dma_semaphore, #tpu.memory_space<semaphore_mem>> -> memref<!tpu.dma_semaphore, #tpu.memory_space<semaphore_mem>>
    %dma_start3A_69 = arith.constant 0 : i32
    %dma_start3A_70 = tpu.memref_slice %arg3[%dma_start3A_58, %add3A_56, %dma_start3A_69] : memref<4x8192x768xf32, #tpu.memory_space<hbm>> -> memref<1x64x768xf32, #tpu.memory_space<hbm>>
    %dma_start3A_71 = tpu.memref_squeeze %dma_start3A_70 : memref<1x64x768xf32, #tpu.memory_space<hbm>> -> memref<64x768xf32, #tpu.memory_space<hbm>>
    %dma_start3A_72 = arith.constant 0 : i32
    %dma_start3A_73 = arith.constant 0 : i32
    %dma_start3A_74 = tpu.memref_slice %arg4[%dma_start3A_57, %dma_start3A_72, %dma_start3A_73] : memref<2x64x768xf32, #tpu.memory_space<vmem>> -> memref<1x64x768xf32, #tpu.memory_space<vmem>>
    %dma_start3A_75 = tpu.memref_squeeze %dma_start3A_74 : memref<1x64x768xf32, #tpu.memory_space<vmem>> -> memref<64x768xf32, #tpu.memory_space<vmem>>
    tpu.enqueue_dma source(%dma_start3A_75 : memref<64x768xf32, #tpu.memory_space<vmem>>) target(%dma_start3A_71 : memref<64x768xf32, #tpu.memory_space<hbm>>) target_semaphore(%dma_start3A_68 : memref<!tpu.dma_semaphore, #tpu.memory_space<semaphore_mem>>)
    %add3A_76 = arith.constant 0 : i32
    %add3A_77 = arith.addi %mul3A_2, %add3A_76 : i32
    %dma_start3A_78 = arith.constant 0 : i32
    %dma_start3A_79 = arith.constant 1 : i32
    %dma_start3A_80 = arith.constant 0 : i32
    %dma_start3A_81 = arith.constant 0 : i32
    %dma_start3A_82 = arith.constant 0 : i32
    %dma_start3A_83 = tpu.memref_slice %arg4[%dma_start3A_78, %dma_start3A_81, %dma_start3A_82] : memref<2x64x768xf32, #tpu.memory_space<vmem>> -> memref<1x64x768xf32, #tpu.memory_space<vmem>>
    %dma_start3A_84 = tpu.memref_squeeze %dma_start3A_83 : memref<1x64x768xf32, #tpu.memory_space<vmem>> -> memref<64x768xf32, #tpu.memory_space<vmem>>
    %dma_start3A_85 = arith.constant 0 : i32
    %dma_start3A_86 = tpu.memref_slice %arg3[%dma_start3A_79, %add3A_77, %dma_start3A_85] : memref<4x8192x768xf32, #tpu.memory_space<hbm>> -> memref<1x64x768xf32, #tpu.memory_space<hbm>>
    %dma_start3A_87 = tpu.memref_squeeze %dma_start3A_86 : memref<1x64x768xf32, #tpu.memory_space<hbm>> -> memref<64x768xf32, #tpu.memory_space<hbm>>
    %dma_start3A_88 = tpu.memref_slice %arg6[%dma_start3A_80] : memref<2x!tpu.dma_semaphore, #tpu.memory_space<semaphore_mem>> -> memref<1x!tpu.dma_semaphore, #tpu.memory_space<semaphore_mem>>
    %dma_start3A_89 = tpu.memref_squeeze %dma_start3A_88 : memref<1x!tpu.dma_semaphore, #tpu.memory_space<semaphore_mem>> -> memref<!tpu.dma_semaphore, #tpu.memory_space<semaphore_mem>>
    %dma_start3A_90 = arith.constant 0 : i32
    %dma_start3A_91 = tpu.memref_slice %arg3[%dma_start3A_79, %add3A_77, %dma_start3A_90] : memref<4x8192x768xf32, #tpu.memory_space<hbm>> -> memref<1x64x768xf32, #tpu.memory_space<hbm>>
    %dma_start3A_92 = tpu.memref_squeeze %dma_start3A_91 : memref<1x64x768xf32, #tpu.memory_space<hbm>> -> memref<64x768xf32, #tpu.memory_space<hbm>>
    %dma_start3A_93 = arith.constant 0 : i32
    %dma_start3A_94 = arith.constant 0 : i32
    %dma_start3A_95 = tpu.memref_slice %arg4[%dma_start3A_78, %dma_start3A_93, %dma_start3A_94] : memref<2x64x768xf32, #tpu.memory_space<vmem>> -> memref<1x64x768xf32, #tpu.memory_space<vmem>>
    %dma_start3A_96 = tpu.memref_squeeze %dma_start3A_95 : memref<1x64x768xf32, #tpu.memory_space<vmem>> -> memref<64x768xf32, #tpu.memory_space<vmem>>
    tpu.enqueue_dma source(%dma_start3A_96 : memref<64x768xf32, #tpu.memory_space<vmem>>) target(%dma_start3A_92 : memref<64x768xf32, #tpu.memory_space<hbm>>) target_semaphore(%dma_start3A_89 : memref<!tpu.dma_semaphore, #tpu.memory_space<semaphore_mem>>)
    %add3A_97 = arith.constant 0 : i32
    %add3A_98 = arith.addi %mul3A_2, %add3A_97 : i32
    %dma_start3A_99 = arith.constant 0 : i32
    %dma_start3A_100 = arith.constant 2 : i32
    %dma_start3A_101 = arith.constant 0 : i32
    %dma_start3A_102 = arith.constant 0 : i32
    %dma_start3A_103 = arith.constant 0 : i32
    %dma_start3A_104 = tpu.memref_slice %arg4[%dma_start3A_99, %dma_start3A_102, %dma_start3A_103] : memref<2x64x768xf32, #tpu.memory_space<vmem>> -> memref<1x64x768xf32, #tpu.memory_space<vmem>>
    %dma_start3A_105 = tpu.memref_squeeze %dma_start3A_104 : memref<1x64x768xf32, #tpu.memory_space<vmem>> -> memref<64x768xf32, #tpu.memory_space<vmem>>
    %dma_start3A_106 = arith.constant 0 : i32
    %dma_start3A_107 = tpu.memref_slice %arg3[%dma_start3A_100, %add3A_98, %dma_start3A_106] : memref<4x8192x768xf32, #tpu.memory_space<hbm>> -> memref<1x64x768xf32, #tpu.memory_space<hbm>>
    %dma_start3A_108 = tpu.memref_squeeze %dma_start3A_107 : memref<1x64x768xf32, #tpu.memory_space<hbm>> -> memref<64x768xf32, #tpu.memory_space<hbm>>
    %dma_start3A_109 = tpu.memref_slice %arg6[%dma_start3A_101] : memref<2x!tpu.dma_semaphore, #tpu.memory_space<semaphore_mem>> -> memref<1x!tpu.dma_semaphore, #tpu.memory_space<semaphore_mem>>
    %dma_start3A_110 = tpu.memref_squeeze %dma_start3A_109 : memref<1x!tpu.dma_semaphore, #tpu.memory_space<semaphore_mem>> -> memref<!tpu.dma_semaphore, #tpu.memory_space<semaphore_mem>>
    %dma_start3A_111 = arith.constant 0 : i32
    %dma_start3A_112 = tpu.memref_slice %arg3[%dma_start3A_100, %add3A_98, %dma_start3A_111] : memref<4x8192x768xf32, #tpu.memory_space<hbm>> -> memref<1x64x768xf32, #tpu.memory_space<hbm>>
    %dma_start3A_113 = tpu.memref_squeeze %dma_start3A_112 : memref<1x64x768xf32, #tpu.memory_space<hbm>> -> memref<64x768xf32, #tpu.memory_space<hbm>>
    %dma_start3A_114 = arith.constant 0 : i32
    %dma_start3A_115 = arith.constant 0 : i32
    %dma_start3A_116 = tpu.memref_slice %arg4[%dma_start3A_99, %dma_start3A_114, %dma_start3A_115] : memref<2x64x768xf32, #tpu.memory_space<vmem>> -> memref<1x64x768xf32, #tpu.memory_space<vmem>>
    %dma_start3A_117 = tpu.memref_squeeze %dma_start3A_116 : memref<1x64x768xf32, #tpu.memory_space<vmem>> -> memref<64x768xf32, #tpu.memory_space<vmem>>
    tpu.enqueue_dma source(%dma_start3A_117 : memref<64x768xf32, #tpu.memory_space<vmem>>) target(%dma_start3A_113 : memref<64x768xf32, #tpu.memory_space<hbm>>) target_semaphore(%dma_start3A_110 : memref<!tpu.dma_semaphore, #tpu.memory_space<semaphore_mem>>)
    %add3A_118 = arith.constant 0 : i32
    %add3A_119 = arith.addi %mul3A_2, %add3A_118 : i32
    %dma_start3A_120 = arith.constant 0 : i32
    %dma_start3A_121 = arith.constant 3 : i32
    %dma_start3A_122 = arith.constant 0 : i32
    %dma_start3A_123 = arith.constant 0 : i32
    %dma_start3A_124 = arith.constant 0 : i32
    %dma_start3A_125 = tpu.memref_slice %arg4[%dma_start3A_120, %dma_start3A_123, %dma_start3A_124] : memref<2x64x768xf32, #tpu.memory_space<vmem>> -> memref<1x64x768xf32, #tpu.memory_space<vmem>>
    %dma_start3A_126 = tpu.memref_squeeze %dma_start3A_125 : memref<1x64x768xf32, #tpu.memory_space<vmem>> -> memref<64x768xf32, #tpu.memory_space<vmem>>
    %dma_start3A_127 = arith.constant 0 : i32
    %dma_start3A_128 = tpu.memref_slice %arg3[%dma_start3A_121, %add3A_119, %dma_start3A_127] : memref<4x8192x768xf32, #tpu.memory_space<hbm>> -> memref<1x64x768xf32, #tpu.memory_space<hbm>>
    %dma_start3A_129 = tpu.memref_squeeze %dma_start3A_128 : memref<1x64x768xf32, #tpu.memory_space<hbm>> -> memref<64x768xf32, #tpu.memory_space<hbm>>
    %dma_start3A_130 = tpu.memref_slice %arg6[%dma_start3A_122] : memref<2x!tpu.dma_semaphore, #tpu.memory_space<semaphore_mem>> -> memref<1x!tpu.dma_semaphore, #tpu.memory_space<semaphore_mem>>
    %dma_start3A_131 = tpu.memref_squeeze %dma_start3A_130 : memref<1x!tpu.dma_semaphore, #tpu.memory_space<semaphore_mem>> -> memref<!tpu.dma_semaphore, #tpu.memory_space<semaphore_mem>>
    %dma_start3A_132 = arith.constant 0 : i32
    %dma_start3A_133 = tpu.memref_slice %arg3[%dma_start3A_121, %add3A_119, %dma_start3A_132] : memref<4x8192x768xf32, #tpu.memory_space<hbm>> -> memref<1x64x768xf32, #tpu.memory_space<hbm>>
    %dma_start3A_134 = tpu.memref_squeeze %dma_start3A_133 : memref<1x64x768xf32, #tpu.memory_space<hbm>> -> memref<64x768xf32, #tpu.memory_space<hbm>>
    %dma_start3A_135 = arith.constant 0 : i32
    %dma_start3A_136 = arith.constant 0 : i32
    %dma_start3A_137 = tpu.memref_slice %arg4[%dma_start3A_120, %dma_start3A_135, %dma_start3A_136] : memref<2x64x768xf32, #tpu.memory_space<vmem>> -> memref<1x64x768xf32, #tpu.memory_space<vmem>>
    %dma_start3A_138 = tpu.memref_squeeze %dma_start3A_137 : memref<1x64x768xf32, #tpu.memory_space<vmem>> -> memref<64x768xf32, #tpu.memory_space<vmem>>
    tpu.enqueue_dma source(%dma_start3A_138 : memref<64x768xf32, #tpu.memory_space<vmem>>) target(%dma_start3A_134 : memref<64x768xf32, #tpu.memory_space<hbm>>) target_semaphore(%dma_start3A_131 : memref<!tpu.dma_semaphore, #tpu.memory_space<semaphore_mem>>)
    %add3A_139 = arith.constant 0 : i32
    %add3A_140 = arith.addi %mul3A_2, %add3A_139 : i32
    %dma_wait3A_141 = arith.constant 0 : i32
    %dma_wait3A_142 = arith.constant 0 : i32
    %dma_wait3A_143 = arith.constant 0 : i32
    %dma_wait3A_144 = arith.constant 0 : i32
    %dma_wait3A_145 = arith.constant 0 : i32
    %dma_wait3A_146 = tpu.memref_slice %arg4[%dma_wait3A_141, %dma_wait3A_144, %dma_wait3A_145] : memref<2x64x768xf32, #tpu.memory_space<vmem>> -> memref<1x64x768xf32, #tpu.memory_space<vmem>>
    %dma_wait3A_147 = tpu.memref_squeeze %dma_wait3A_146 : memref<1x64x768xf32, #tpu.memory_space<vmem>> -> memref<64x768xf32, #tpu.memory_space<vmem>>
    %dma_wait3A_148 = arith.constant 0 : i32
    %dma_wait3A_149 = tpu.memref_slice %arg3[%dma_wait3A_142, %add3A_140, %dma_wait3A_148] : memref<4x8192x768xf32, #tpu.memory_space<hbm>> -> memref<1x64x768xf32, #tpu.memory_space<hbm>>
    %dma_wait3A_150 = tpu.memref_squeeze %dma_wait3A_149 : memref<1x64x768xf32, #tpu.memory_space<hbm>> -> memref<64x768xf32, #tpu.memory_space<hbm>>
    %dma_wait3A_151 = tpu.memref_slice %arg6[%dma_wait3A_143] : memref<2x!tpu.dma_semaphore, #tpu.memory_space<semaphore_mem>> -> memref<1x!tpu.dma_semaphore, #tpu.memory_space<semaphore_mem>>
    %dma_wait3A_152 = tpu.memref_squeeze %dma_wait3A_151 : memref<1x!tpu.dma_semaphore, #tpu.memory_space<semaphore_mem>> -> memref<!tpu.dma_semaphore, #tpu.memory_space<semaphore_mem>>
    %dma_wait3A_153 = arith.constant 0 : i32
    %dma_wait3A_154 = tpu.memref_slice %arg3[%dma_wait3A_142, %add3A_140, %dma_wait3A_153] : memref<4x8192x768xf32, #tpu.memory_space<hbm>> -> memref<1x64x768xf32, #tpu.memory_space<hbm>>
    %dma_wait3A_155 = tpu.memref_squeeze %dma_wait3A_154 : memref<1x64x768xf32, #tpu.memory_space<hbm>> -> memref<64x768xf32, #tpu.memory_space<hbm>>
    %dma_wait3A_156 = arith.constant 0 : i32
    %dma_wait3A_157 = arith.constant 0 : i32
    %dma_wait3A_158 = tpu.memref_slice %arg4[%dma_wait3A_141, %dma_wait3A_156, %dma_wait3A_157] : memref<2x64x768xf32, #tpu.memory_space<vmem>> -> memref<1x64x768xf32, #tpu.memory_space<vmem>>
    %dma_wait3A_159 = tpu.memref_squeeze %dma_wait3A_158 : memref<1x64x768xf32, #tpu.memory_space<vmem>> -> memref<64x768xf32, #tpu.memory_space<vmem>>
    tpu.wait_dma2 semaphore(%dma_wait3A_152 : memref<!tpu.dma_semaphore, #tpu.memory_space<semaphore_mem>>) src(%dma_wait3A_159 : memref<64x768xf32, #tpu.memory_space<vmem>>) dst(%dma_wait3A_155 : memref<64x768xf32, #tpu.memory_space<hbm>>)
    %add3A_160 = arith.constant 0 : i32
    %add3A_161 = arith.addi %mul3A_2, %add3A_160 : i32
    %dma_wait3A_162 = arith.constant 0 : i32
    %dma_wait3A_163 = arith.constant 1 : i32
    %dma_wait3A_164 = arith.constant 0 : i32
    %dma_wait3A_165 = arith.constant 0 : i32
    %dma_wait3A_166 = arith.constant 0 : i32
    %dma_wait3A_167 = tpu.memref_slice %arg4[%dma_wait3A_162, %dma_wait3A_165, %dma_wait3A_166] : memref<2x64x768xf32, #tpu.memory_space<vmem>> -> memref<1x64x768xf32, #tpu.memory_space<vmem>>
    %dma_wait3A_168 = tpu.memref_squeeze %dma_wait3A_167 : memref<1x64x768xf32, #tpu.memory_space<vmem>> -> memref<64x768xf32, #tpu.memory_space<vmem>>
    %dma_wait3A_169 = arith.constant 0 : i32
    %dma_wait3A_170 = tpu.memref_slice %arg3[%dma_wait3A_163, %add3A_161, %dma_wait3A_169] : memref<4x8192x768xf32, #tpu.memory_space<hbm>> -> memref<1x64x768xf32, #tpu.memory_space<hbm>>
    %dma_wait3A_171 = tpu.memref_squeeze %dma_wait3A_170 : memref<1x64x768xf32, #tpu.memory_space<hbm>> -> memref<64x768xf32, #tpu.memory_space<hbm>>
    %dma_wait3A_172 = tpu.memref_slice %arg6[%dma_wait3A_164] : memref<2x!tpu.dma_semaphore, #tpu.memory_space<semaphore_mem>> -> memref<1x!tpu.dma_semaphore, #tpu.memory_space<semaphore_mem>>
    %dma_wait3A_173 = tpu.memref_squeeze %dma_wait3A_172 : memref<1x!tpu.dma_semaphore, #tpu.memory_space<semaphore_mem>> -> memref<!tpu.dma_semaphore, #tpu.memory_space<semaphore_mem>>
    %dma_wait3A_174 = arith.constant 0 : i32
    %dma_wait3A_175 = tpu.memref_slice %arg3[%dma_wait3A_163, %add3A_161, %dma_wait3A_174] : memref<4x8192x768xf32, #tpu.memory_space<hbm>> -> memref<1x64x768xf32, #tpu.memory_space<hbm>>
    %dma_wait3A_176 = tpu.memref_squeeze %dma_wait3A_175 : memref<1x64x768xf32, #tpu.memory_space<hbm>> -> memref<64x768xf32, #tpu.memory_space<hbm>>
    %dma_wait3A_177 = arith.constant 0 : i32
    %dma_wait3A_178 = arith.constant 0 : i32
    %dma_wait3A_179 = tpu.memref_slice %arg4[%dma_wait3A_162, %dma_wait3A_177, %dma_wait3A_178] : memref<2x64x768xf32, #tpu.memory_space<vmem>> -> memref<1x64x768xf32, #tpu.memory_space<vmem>>
    %dma_wait3A_180 = tpu.memref_squeeze %dma_wait3A_179 : memref<1x64x768xf32, #tpu.memory_space<vmem>> -> memref<64x768xf32, #tpu.memory_space<vmem>>
    tpu.wait_dma2 semaphore(%dma_wait3A_173 : memref<!tpu.dma_semaphore, #tpu.memory_space<semaphore_mem>>) src(%dma_wait3A_180 : memref<64x768xf32, #tpu.memory_space<vmem>>) dst(%dma_wait3A_176 : memref<64x768xf32, #tpu.memory_space<hbm>>)
    %add3A_181 = arith.constant 0 : i32
    %add3A_182 = arith.addi %mul3A_2, %add3A_181 : i32
    %dma_wait3A_183 = arith.constant 0 : i32
    %dma_wait3A_184 = arith.constant 2 : i32
    %dma_wait3A_185 = arith.constant 0 : i32
    %dma_wait3A_186 = arith.constant 0 : i32
    %dma_wait3A_187 = arith.constant 0 : i32
    %dma_wait3A_188 = tpu.memref_slice %arg4[%dma_wait3A_183, %dma_wait3A_186, %dma_wait3A_187] : memref<2x64x768xf32, #tpu.memory_space<vmem>> -> memref<1x64x768xf32, #tpu.memory_space<vmem>>
    %dma_wait3A_189 = tpu.memref_squeeze %dma_wait3A_188 : memref<1x64x768xf32, #tpu.memory_space<vmem>> -> memref<64x768xf32, #tpu.memory_space<vmem>>
    %dma_wait3A_190 = arith.constant 0 : i32
    %dma_wait3A_191 = tpu.memref_slice %arg3[%dma_wait3A_184, %add3A_182, %dma_wait3A_190] : memref<4x8192x768xf32, #tpu.memory_space<hbm>> -> memref<1x64x768xf32, #tpu.memory_space<hbm>>
    %dma_wait3A_192 = tpu.memref_squeeze %dma_wait3A_191 : memref<1x64x768xf32, #tpu.memory_space<hbm>> -> memref<64x768xf32, #tpu.memory_space<hbm>>
    %dma_wait3A_193 = tpu.memref_slice %arg6[%dma_wait3A_185] : memref<2x!tpu.dma_semaphore, #tpu.memory_space<semaphore_mem>> -> memref<1x!tpu.dma_semaphore, #tpu.memory_space<semaphore_mem>>
    %dma_wait3A_194 = tpu.memref_squeeze %dma_wait3A_193 : memref<1x!tpu.dma_semaphore, #tpu.memory_space<semaphore_mem>> -> memref<!tpu.dma_semaphore, #tpu.memory_space<semaphore_mem>>
    %dma_wait3A_195 = arith.constant 0 : i32
    %dma_wait3A_196 = tpu.memref_slice %arg3[%dma_wait3A_184, %add3A_182, %dma_wait3A_195] : memref<4x8192x768xf32, #tpu.memory_space<hbm>> -> memref<1x64x768xf32, #tpu.memory_space<hbm>>
    %dma_wait3A_197 = tpu.memref_squeeze %dma_wait3A_196 : memref<1x64x768xf32, #tpu.memory_space<hbm>> -> memref<64x768xf32, #tpu.memory_space<hbm>>
    %dma_wait3A_198 = arith.constant 0 : i32
    %dma_wait3A_199 = arith.constant 0 : i32
    %dma_wait3A_200 = tpu.memref_slice %arg4[%dma_wait3A_183, %dma_wait3A_198, %dma_wait3A_199] : memref<2x64x768xf32, #tpu.memory_space<vmem>> -> memref<1x64x768xf32, #tpu.memory_space<vmem>>
    %dma_wait3A_201 = tpu.memref_squeeze %dma_wait3A_200 : memref<1x64x768xf32, #tpu.memory_space<vmem>> -> memref<64x768xf32, #tpu.memory_space<vmem>>
    tpu.wait_dma2 semaphore(%dma_wait3A_194 : memref<!tpu.dma_semaphore, #tpu.memory_space<semaphore_mem>>) src(%dma_wait3A_201 : memref<64x768xf32, #tpu.memory_space<vmem>>) dst(%dma_wait3A_197 : memref<64x768xf32, #tpu.memory_space<hbm>>)
    %add3A_202 = arith.constant 0 : i32
    %add3A_203 = arith.addi %mul3A_2, %add3A_202 : i32
    %dma_wait3A_204 = arith.constant 0 : i32
    %dma_wait3A_205 = arith.constant 3 : i32
    %dma_wait3A_206 = arith.constant 0 : i32
    %dma_wait3A_207 = arith.constant 0 : i32
    %dma_wait3A_208 = arith.constant 0 : i32
    %dma_wait3A_209 = tpu.memref_slice %arg4[%dma_wait3A_204, %dma_wait3A_207, %dma_wait3A_208] : memref<2x64x768xf32, #tpu.memory_space<vmem>> -> memref<1x64x768xf32, #tpu.memory_space<vmem>>
    %dma_wait3A_210 = tpu.memref_squeeze %dma_wait3A_209 : memref<1x64x768xf32, #tpu.memory_space<vmem>> -> memref<64x768xf32, #tpu.memory_space<vmem>>
    %dma_wait3A_211 = arith.constant 0 : i32
    %dma_wait3A_212 = tpu.memref_slice %arg3[%dma_wait3A_205, %add3A_203, %dma_wait3A_211] : memref<4x8192x768xf32, #tpu.memory_space<hbm>> -> memref<1x64x768xf32, #tpu.memory_space<hbm>>
    %dma_wait3A_213 = tpu.memref_squeeze %dma_wait3A_212 : memref<1x64x768xf32, #tpu.memory_space<hbm>> -> memref<64x768xf32, #tpu.memory_space<hbm>>
    %dma_wait3A_214 = tpu.memref_slice %arg6[%dma_wait3A_206] : memref<2x!tpu.dma_semaphore, #tpu.memory_space<semaphore_mem>> -> memref<1x!tpu.dma_semaphore, #tpu.memory_space<semaphore_mem>>
    %dma_wait3A_215 = tpu.memref_squeeze %dma_wait3A_214 : memref<1x!tpu.dma_semaphore, #tpu.memory_space<semaphore_mem>> -> memref<!tpu.dma_semaphore, #tpu.memory_space<semaphore_mem>>
    %dma_wait3A_216 = arith.constant 0 : i32
    %dma_wait3A_217 = tpu.memref_slice %arg3[%dma_wait3A_205, %add3A_203, %dma_wait3A_216] : memref<4x8192x768xf32, #tpu.memory_space<hbm>> -> memref<1x64x768xf32, #tpu.memory_space<hbm>>
    %dma_wait3A_218 = tpu.memref_squeeze %dma_wait3A_217 : memref<1x64x768xf32, #tpu.memory_space<hbm>> -> memref<64x768xf32, #tpu.memory_space<hbm>>
    %dma_wait3A_219 = arith.constant 0 : i32
    %dma_wait3A_220 = arith.constant 0 : i32
    %dma_wait3A_221 = tpu.memref_slice %arg4[%dma_wait3A_204, %dma_wait3A_219, %dma_wait3A_220] : memref<2x64x768xf32, #tpu.memory_space<vmem>> -> memref<1x64x768xf32, #tpu.memory_space<vmem>>
    %dma_wait3A_222 = tpu.memref_squeeze %dma_wait3A_221 : memref<1x64x768xf32, #tpu.memory_space<vmem>> -> memref<64x768xf32, #tpu.memory_space<vmem>>
    tpu.wait_dma2 semaphore(%dma_wait3A_215 : memref<!tpu.dma_semaphore, #tpu.memory_space<semaphore_mem>>) src(%dma_wait3A_222 : memref<64x768xf32, #tpu.memory_space<vmem>>) dst(%dma_wait3A_218 : memref<64x768xf32, #tpu.memory_space<hbm>>)
    %add3A_223 = arith.constant 128 : i32
    %add3A_224 = arith.addi %mul3A_2, %add3A_223 : i32
    %dma_start3A_225 = arith.constant 0 : i32
    %dma_start3A_226 = arith.constant 0 : i32
    %dma_start3A_227 = arith.constant 0 : i32
    %dma_start3A_228 = arith.constant 0 : i32
    %dma_start3A_229 = tpu.memref_slice %arg4[%dma_start3A_225, %dma_start3A_227, %dma_start3A_228] : memref<2x64x768xf32, #tpu.memory_space<vmem>> -> memref<1x64x768xf32, #tpu.memory_space<vmem>>
    %dma_start3A_230 = tpu.memref_squeeze %dma_start3A_229 : memref<1x64x768xf32, #tpu.memory_space<vmem>> -> memref<64x768xf32, #tpu.memory_space<vmem>>
    %dma_start3A_231 = arith.constant 0 : i32
    %dma_start3A_232 = tpu.memref_slice %arg2[%add3A_224, %dma_start3A_231] : memref<8192x768xf32, #tpu.memory_space<hbm>> -> memref<64x768xf32, #tpu.memory_space<hbm>>
    %dma_start3A_233 = tpu.memref_slice %arg5[%dma_start3A_226] : memref<2x!tpu.dma_semaphore, #tpu.memory_space<semaphore_mem>> -> memref<1x!tpu.dma_semaphore, #tpu.memory_space<semaphore_mem>>
    %dma_start3A_234 = tpu.memref_squeeze %dma_start3A_233 : memref<1x!tpu.dma_semaphore, #tpu.memory_space<semaphore_mem>> -> memref<!tpu.dma_semaphore, #tpu.memory_space<semaphore_mem>>
    %dma_start3A_235 = arith.constant 0 : i32
    %dma_start3A_236 = arith.constant 0 : i32
    %dma_start3A_237 = tpu.memref_slice %arg4[%dma_start3A_225, %dma_start3A_235, %dma_start3A_236] : memref<2x64x768xf32, #tpu.memory_space<vmem>> -> memref<1x64x768xf32, #tpu.memory_space<vmem>>
    %dma_start3A_238 = tpu.memref_squeeze %dma_start3A_237 : memref<1x64x768xf32, #tpu.memory_space<vmem>> -> memref<64x768xf32, #tpu.memory_space<vmem>>
    %dma_start3A_239 = arith.constant 0 : i32
    %dma_start3A_240 = tpu.memref_slice %arg2[%add3A_224, %dma_start3A_239] : memref<8192x768xf32, #tpu.memory_space<hbm>> -> memref<64x768xf32, #tpu.memory_space<hbm>>
    tpu.enqueue_dma source(%dma_start3A_240 : memref<64x768xf32, #tpu.memory_space<hbm>>) target(%dma_start3A_238 : memref<64x768xf32, #tpu.memory_space<vmem>>) target_semaphore(%dma_start3A_234 : memref<!tpu.dma_semaphore, #tpu.memory_space<semaphore_mem>>)
    %add3A_241 = arith.constant 64 : i32
    %add3A_242 = arith.addi %mul3A_2, %add3A_241 : i32
    %dma_wait3A_243 = arith.constant 1 : i32
    %dma_wait3A_244 = arith.constant 1 : i32
    %dma_wait3A_245 = arith.constant 0 : i32
    %dma_wait3A_246 = arith.constant 0 : i32
    %dma_wait3A_247 = tpu.memref_slice %arg4[%dma_wait3A_243, %dma_wait3A_245, %dma_wait3A_246] : memref<2x64x768xf32, #tpu.memory_space<vmem>> -> memref<1x64x768xf32, #tpu.memory_space<vmem>>
    %dma_wait3A_248 = tpu.memref_squeeze %dma_wait3A_247 : memref<1x64x768xf32, #tpu.memory_space<vmem>> -> memref<64x768xf32, #tpu.memory_space<vmem>>
    %dma_wait3A_249 = arith.constant 0 : i32
    %dma_wait3A_250 = tpu.memref_slice %arg2[%add3A_242, %dma_wait3A_249] : memref<8192x768xf32, #tpu.memory_space<hbm>> -> memref<64x768xf32, #tpu.memory_space<hbm>>
    %dma_wait3A_251 = tpu.memref_slice %arg5[%dma_wait3A_244] : memref<2x!tpu.dma_semaphore, #tpu.memory_space<semaphore_mem>> -> memref<1x!tpu.dma_semaphore, #tpu.memory_space<semaphore_mem>>
    %dma_wait3A_252 = tpu.memref_squeeze %dma_wait3A_251 : memref<1x!tpu.dma_semaphore, #tpu.memory_space<semaphore_mem>> -> memref<!tpu.dma_semaphore, #tpu.memory_space<semaphore_mem>>
    %dma_wait3A_253 = arith.constant 0 : i32
    %dma_wait3A_254 = arith.constant 0 : i32
    %dma_wait3A_255 = tpu.memref_slice %arg4[%dma_wait3A_243, %dma_wait3A_253, %dma_wait3A_254] : memref<2x64x768xf32, #tpu.memory_space<vmem>> -> memref<1x64x768xf32, #tpu.memory_space<vmem>>
    %dma_wait3A_256 = tpu.memref_squeeze %dma_wait3A_255 : memref<1x64x768xf32, #tpu.memory_space<vmem>> -> memref<64x768xf32, #tpu.memory_space<vmem>>
    %dma_wait3A_257 = arith.constant 0 : i32
    %dma_wait3A_258 = tpu.memref_slice %arg2[%add3A_242, %dma_wait3A_257] : memref<8192x768xf32, #tpu.memory_space<hbm>> -> memref<64x768xf32, #tpu.memory_space<hbm>>
    tpu.wait_dma2 semaphore(%dma_wait3A_252 : memref<!tpu.dma_semaphore, #tpu.memory_space<semaphore_mem>>) src(%dma_wait3A_258 : memref<64x768xf32, #tpu.memory_space<hbm>>) dst(%dma_wait3A_256 : memref<64x768xf32, #tpu.memory_space<vmem>>)
    %add3A_259 = arith.constant 64 : i32
    %add3A_260 = arith.addi %mul3A_2, %add3A_259 : i32
    %dma_start3A_261 = arith.constant 1 : i32
    %dma_start3A_262 = arith.constant 0 : i32
    %dma_start3A_263 = arith.constant 1 : i32
    %dma_start3A_264 = arith.constant 0 : i32
    %dma_start3A_265 = arith.constant 0 : i32
    %dma_start3A_266 = tpu.memref_slice %arg4[%dma_start3A_261, %dma_start3A_264, %dma_start3A_265] : memref<2x64x768xf32, #tpu.memory_space<vmem>> -> memref<1x64x768xf32, #tpu.memory_space<vmem>>
    %dma_start3A_267 = tpu.memref_squeeze %dma_start3A_266 : memref<1x64x768xf32, #tpu.memory_space<vmem>> -> memref<64x768xf32, #tpu.memory_space<vmem>>
    %dma_start3A_268 = arith.constant 0 : i32
    %dma_start3A_269 = tpu.memref_slice %arg3[%dma_start3A_262, %add3A_260, %dma_start3A_268] : memref<4x8192x768xf32, #tpu.memory_space<hbm>> -> memref<1x64x768xf32, #tpu.memory_space<hbm>>
    %dma_start3A_270 = tpu.memref_squeeze %dma_start3A_269 : memref<1x64x768xf32, #tpu.memory_space<hbm>> -> memref<64x768xf32, #tpu.memory_space<hbm>>
    %dma_start3A_271 = tpu.memref_slice %arg6[%dma_start3A_263] : memref<2x!tpu.dma_semaphore, #tpu.memory_space<semaphore_mem>> -> memref<1x!tpu.dma_semaphore, #tpu.memory_space<semaphore_mem>>
    %dma_start3A_272 = tpu.memref_squeeze %dma_start3A_271 : memref<1x!tpu.dma_semaphore, #tpu.memory_space<semaphore_mem>> -> memref<!tpu.dma_semaphore, #tpu.memory_space<semaphore_mem>>
    %dma_start3A_273 = arith.constant 0 : i32
    %dma_start3A_274 = tpu.memref_slice %arg3[%dma_start3A_262, %add3A_260, %dma_start3A_273] : memref<4x8192x768xf32, #tpu.memory_space<hbm>> -> memref<1x64x768xf32, #tpu.memory_space<hbm>>
    %dma_start3A_275 = tpu.memref_squeeze %dma_start3A_274 : memref<1x64x768xf32, #tpu.memory_space<hbm>> -> memref<64x768xf32, #tpu.memory_space<hbm>>
    %dma_start3A_276 = arith.constant 0 : i32
    %dma_start3A_277 = arith.constant 0 : i32
    %dma_start3A_278 = tpu.memref_slice %arg4[%dma_start3A_261, %dma_start3A_276, %dma_start3A_277] : memref<2x64x768xf32, #tpu.memory_space<vmem>> -> memref<1x64x768xf32, #tpu.memory_space<vmem>>
    %dma_start3A_279 = tpu.memref_squeeze %dma_start3A_278 : memref<1x64x768xf32, #tpu.memory_space<vmem>> -> memref<64x768xf32, #tpu.memory_space<vmem>>
    tpu.enqueue_dma source(%dma_start3A_279 : memref<64x768xf32, #tpu.memory_space<vmem>>) target(%dma_start3A_275 : memref<64x768xf32, #tpu.memory_space<hbm>>) target_semaphore(%dma_start3A_272 : memref<!tpu.dma_semaphore, #tpu.memory_space<semaphore_mem>>)
    %add3A_280 = arith.constant 64 : i32
    %add3A_281 = arith.addi %mul3A_2, %add3A_280 : i32
    %dma_start3A_282 = arith.constant 1 : i32
    %dma_start3A_283 = arith.constant 1 : i32
    %dma_start3A_284 = arith.constant 1 : i32
    %dma_start3A_285 = arith.constant 0 : i32
    %dma_start3A_286 = arith.constant 0 : i32
    %dma_start3A_287 = tpu.memref_slice %arg4[%dma_start3A_282, %dma_start3A_285, %dma_start3A_286] : memref<2x64x768xf32, #tpu.memory_space<vmem>> -> memref<1x64x768xf32, #tpu.memory_space<vmem>>
    %dma_start3A_288 = tpu.memref_squeeze %dma_start3A_287 : memref<1x64x768xf32, #tpu.memory_space<vmem>> -> memref<64x768xf32, #tpu.memory_space<vmem>>
    %dma_start3A_289 = arith.constant 0 : i32
    %dma_start3A_290 = tpu.memref_slice %arg3[%dma_start3A_283, %add3A_281, %dma_start3A_289] : memref<4x8192x768xf32, #tpu.memory_space<hbm>> -> memref<1x64x768xf32, #tpu.memory_space<hbm>>
    %dma_start3A_291 = tpu.memref_squeeze %dma_start3A_290 : memref<1x64x768xf32, #tpu.memory_space<hbm>> -> memref<64x768xf32, #tpu.memory_space<hbm>>
    %dma_start3A_292 = tpu.memref_slice %arg6[%dma_start3A_284] : memref<2x!tpu.dma_semaphore, #tpu.memory_space<semaphore_mem>> -> memref<1x!tpu.dma_semaphore, #tpu.memory_space<semaphore_mem>>
    %dma_start3A_293 = tpu.memref_squeeze %dma_start3A_292 : memref<1x!tpu.dma_semaphore, #tpu.memory_space<semaphore_mem>> -> memref<!tpu.dma_semaphore, #tpu.memory_space<semaphore_mem>>
    %dma_start3A_294 = arith.constant 0 : i32
    %dma_start3A_295 = tpu.memref_slice %arg3[%dma_start3A_283, %add3A_281, %dma_start3A_294] : memref<4x8192x768xf32, #tpu.memory_space<hbm>> -> memref<1x64x768xf32, #tpu.memory_space<hbm>>
    %dma_start3A_296 = tpu.memref_squeeze %dma_start3A_295 : memref<1x64x768xf32, #tpu.memory_space<hbm>> -> memref<64x768xf32, #tpu.memory_space<hbm>>
    %dma_start3A_297 = arith.constant 0 : i32
    %dma_start3A_298 = arith.constant 0 : i32
    %dma_start3A_299 = tpu.memref_slice %arg4[%dma_start3A_282, %dma_start3A_297, %dma_start3A_298] : memref<2x64x768xf32, #tpu.memory_space<vmem>> -> memref<1x64x768xf32, #tpu.memory_space<vmem>>
    %dma_start3A_300 = tpu.memref_squeeze %dma_start3A_299 : memref<1x64x768xf32, #tpu.memory_space<vmem>> -> memref<64x768xf32, #tpu.memory_space<vmem>>
    tpu.enqueue_dma source(%dma_start3A_300 : memref<64x768xf32, #tpu.memory_space<vmem>>) target(%dma_start3A_296 : memref<64x768xf32, #tpu.memory_space<hbm>>) target_semaphore(%dma_start3A_293 : memref<!tpu.dma_semaphore, #tpu.memory_space<semaphore_mem>>)
    %add3A_301 = arith.constant 64 : i32
    %add3A_302 = arith.addi %mul3A_2, %add3A_301 : i32
    %dma_start3A_303 = arith.constant 1 : i32
    %dma_start3A_304 = arith.constant 2 : i32
    %dma_start3A_305 = arith.constant 1 : i32
    %dma_start3A_306 = arith.constant 0 : i32
    %dma_start3A_307 = arith.constant 0 : i32
    %dma_start3A_308 = tpu.memref_slice %arg4[%dma_start3A_303, %dma_start3A_306, %dma_start3A_307] : memref<2x64x768xf32, #tpu.memory_space<vmem>> -> memref<1x64x768xf32, #tpu.memory_space<vmem>>
    %dma_start3A_309 = tpu.memref_squeeze %dma_start3A_308 : memref<1x64x768xf32, #tpu.memory_space<vmem>> -> memref<64x768xf32, #tpu.memory_space<vmem>>
    %dma_start3A_310 = arith.constant 0 : i32
    %dma_start3A_311 = tpu.memref_slice %arg3[%dma_start3A_304, %add3A_302, %dma_start3A_310] : memref<4x8192x768xf32, #tpu.memory_space<hbm>> -> memref<1x64x768xf32, #tpu.memory_space<hbm>>
    %dma_start3A_312 = tpu.memref_squeeze %dma_start3A_311 : memref<1x64x768xf32, #tpu.memory_space<hbm>> -> memref<64x768xf32, #tpu.memory_space<hbm>>
    %dma_start3A_313 = tpu.memref_slice %arg6[%dma_start3A_305] : memref<2x!tpu.dma_semaphore, #tpu.memory_space<semaphore_mem>> -> memref<1x!tpu.dma_semaphore, #tpu.memory_space<semaphore_mem>>
    %dma_start3A_314 = tpu.memref_squeeze %dma_start3A_313 : memref<1x!tpu.dma_semaphore, #tpu.memory_space<semaphore_mem>> -> memref<!tpu.dma_semaphore, #tpu.memory_space<semaphore_mem>>
    %dma_start3A_315 = arith.constant 0 : i32
    %dma_start3A_316 = tpu.memref_slice %arg3[%dma_start3A_304, %add3A_302, %dma_start3A_315] : memref<4x8192x768xf32, #tpu.memory_space<hbm>> -> memref<1x64x768xf32, #tpu.memory_space<hbm>>
    %dma_start3A_317 = tpu.memref_squeeze %dma_start3A_316 : memref<1x64x768xf32, #tpu.memory_space<hbm>> -> memref<64x768xf32, #tpu.memory_space<hbm>>
    %dma_start3A_318 = arith.constant 0 : i32
    %dma_start3A_319 = arith.constant 0 : i32
    %dma_start3A_320 = tpu.memref_slice %arg4[%dma_start3A_303, %dma_start3A_318, %dma_start3A_319] : memref<2x64x768xf32, #tpu.memory_space<vmem>> -> memref<1x64x768xf32, #tpu.memory_space<vmem>>
    %dma_start3A_321 = tpu.memref_squeeze %dma_start3A_320 : memref<1x64x768xf32, #tpu.memory_space<vmem>> -> memref<64x768xf32, #tpu.memory_space<vmem>>
    tpu.enqueue_dma source(%dma_start3A_321 : memref<64x768xf32, #tpu.memory_space<vmem>>) target(%dma_start3A_317 : memref<64x768xf32, #tpu.memory_space<hbm>>) target_semaphore(%dma_start3A_314 : memref<!tpu.dma_semaphore, #tpu.memory_space<semaphore_mem>>)
    %add3A_322 = arith.constant 64 : i32
    %add3A_323 = arith.addi %mul3A_2, %add3A_322 : i32
    %dma_start3A_324 = arith.constant 1 : i32
    %dma_start3A_325 = arith.constant 3 : i32
    %dma_start3A_326 = arith.constant 1 : i32
    %dma_start3A_327 = arith.constant 0 : i32
    %dma_start3A_328 = arith.constant 0 : i32
    %dma_start3A_329 = tpu.memref_slice %arg4[%dma_start3A_324, %dma_start3A_327, %dma_start3A_328] : memref<2x64x768xf32, #tpu.memory_space<vmem>> -> memref<1x64x768xf32, #tpu.memory_space<vmem>>
    %dma_start3A_330 = tpu.memref_squeeze %dma_start3A_329 : memref<1x64x768xf32, #tpu.memory_space<vmem>> -> memref<64x768xf32, #tpu.memory_space<vmem>>
    %dma_start3A_331 = arith.constant 0 : i32
    %dma_start3A_332 = tpu.memref_slice %arg3[%dma_start3A_325, %add3A_323, %dma_start3A_331] : memref<4x8192x768xf32, #tpu.memory_space<hbm>> -> memref<1x64x768xf32, #tpu.memory_space<hbm>>
    %dma_start3A_333 = tpu.memref_squeeze %dma_start3A_332 : memref<1x64x768xf32, #tpu.memory_space<hbm>> -> memref<64x768xf32, #tpu.memory_space<hbm>>
    %dma_start3A_334 = tpu.memref_slice %arg6[%dma_start3A_326] : memref<2x!tpu.dma_semaphore, #tpu.memory_space<semaphore_mem>> -> memref<1x!tpu.dma_semaphore, #tpu.memory_space<semaphore_mem>>
    %dma_start3A_335 = tpu.memref_squeeze %dma_start3A_334 : memref<1x!tpu.dma_semaphore, #tpu.memory_space<semaphore_mem>> -> memref<!tpu.dma_semaphore, #tpu.memory_space<semaphore_mem>>
    %dma_start3A_336 = arith.constant 0 : i32
    %dma_start3A_337 = tpu.memref_slice %arg3[%dma_start3A_325, %add3A_323, %dma_start3A_336] : memref<4x8192x768xf32, #tpu.memory_space<hbm>> -> memref<1x64x768xf32, #tpu.memory_space<hbm>>
    %dma_start3A_338 = tpu.memref_squeeze %dma_start3A_337 : memref<1x64x768xf32, #tpu.memory_space<hbm>> -> memref<64x768xf32, #tpu.memory_space<hbm>>
    %dma_start3A_339 = arith.constant 0 : i32
    %dma_start3A_340 = arith.constant 0 : i32
    %dma_start3A_341 = tpu.memref_slice %arg4[%dma_start3A_324, %dma_start3A_339, %dma_start3A_340] : memref<2x64x768xf32, #tpu.memory_space<vmem>> -> memref<1x64x768xf32, #tpu.memory_space<vmem>>
    %dma_start3A_342 = tpu.memref_squeeze %dma_start3A_341 : memref<1x64x768xf32, #tpu.memory_space<vmem>> -> memref<64x768xf32, #tpu.memory_space<vmem>>
    tpu.enqueue_dma source(%dma_start3A_342 : memref<64x768xf32, #tpu.memory_space<vmem>>) target(%dma_start3A_338 : memref<64x768xf32, #tpu.memory_space<hbm>>) target_semaphore(%dma_start3A_335 : memref<!tpu.dma_semaphore, #tpu.memory_space<semaphore_mem>>)
    %add3A_343 = arith.constant 64 : i32
    %add3A_344 = arith.addi %mul3A_2, %add3A_343 : i32
    %dma_wait3A_345 = arith.constant 1 : i32
    %dma_wait3A_346 = arith.constant 0 : i32
    %dma_wait3A_347 = arith.constant 1 : i32
    %dma_wait3A_348 = arith.constant 0 : i32
    %dma_wait3A_349 = arith.constant 0 : i32
    %dma_wait3A_350 = tpu.memref_slice %arg4[%dma_wait3A_345, %dma_wait3A_348, %dma_wait3A_349] : memref<2x64x768xf32, #tpu.memory_space<vmem>> -> memref<1x64x768xf32, #tpu.memory_space<vmem>>
    %dma_wait3A_351 = tpu.memref_squeeze %dma_wait3A_350 : memref<1x64x768xf32, #tpu.memory_space<vmem>> -> memref<64x768xf32, #tpu.memory_space<vmem>>
    %dma_wait3A_352 = arith.constant 0 : i32
    %dma_wait3A_353 = tpu.memref_slice %arg3[%dma_wait3A_346, %add3A_344, %dma_wait3A_352] : memref<4x8192x768xf32, #tpu.memory_space<hbm>> -> memref<1x64x768xf32, #tpu.memory_space<hbm>>
    %dma_wait3A_354 = tpu.memref_squeeze %dma_wait3A_353 : memref<1x64x768xf32, #tpu.memory_space<hbm>> -> memref<64x768xf32, #tpu.memory_space<hbm>>
    %dma_wait3A_355 = tpu.memref_slice %arg6[%dma_wait3A_347] : memref<2x!tpu.dma_semaphore, #tpu.memory_space<semaphore_mem>> -> memref<1x!tpu.dma_semaphore, #tpu.memory_space<semaphore_mem>>
    %dma_wait3A_356 = tpu.memref_squeeze %dma_wait3A_355 : memref<1x!tpu.dma_semaphore, #tpu.memory_space<semaphore_mem>> -> memref<!tpu.dma_semaphore, #tpu.memory_space<semaphore_mem>>
    %dma_wait3A_357 = arith.constant 0 : i32
    %dma_wait3A_358 = tpu.memref_slice %arg3[%dma_wait3A_346, %add3A_344, %dma_wait3A_357] : memref<4x8192x768xf32, #tpu.memory_space<hbm>> -> memref<1x64x768xf32, #tpu.memory_space<hbm>>
    %dma_wait3A_359 = tpu.memref_squeeze %dma_wait3A_358 : memref<1x64x768xf32, #tpu.memory_space<hbm>> -> memref<64x768xf32, #tpu.memory_space<hbm>>
    %dma_wait3A_360 = arith.constant 0 : i32
    %dma_wait3A_361 = arith.constant 0 : i32
    %dma_wait3A_362 = tpu.memref_slice %arg4[%dma_wait3A_345, %dma_wait3A_360, %dma_wait3A_361] : memref<2x64x768xf32, #tpu.memory_space<vmem>> -> memref<1x64x768xf32, #tpu.memory_space<vmem>>
    %dma_wait3A_363 = tpu.memref_squeeze %dma_wait3A_362 : memref<1x64x768xf32, #tpu.memory_space<vmem>> -> memref<64x768xf32, #tpu.memory_space<vmem>>
    tpu.wait_dma2 semaphore(%dma_wait3A_356 : memref<!tpu.dma_semaphore, #tpu.memory_space<semaphore_mem>>) src(%dma_wait3A_363 : memref<64x768xf32, #tpu.memory_space<vmem>>) dst(%dma_wait3A_359 : memref<64x768xf32, #tpu.memory_space<hbm>>)
    %add3A_364 = arith.constant 64 : i32
    %add3A_365 = arith.addi %mul3A_2, %add3A_364 : i32
    %dma_wait3A_366 = arith.constant 1 : i32
    %dma_wait3A_367 = arith.constant 1 : i32
    %dma_wait3A_368 = arith.constant 1 : i32
    %dma_wait3A_369 = arith.constant 0 : i32
    %dma_wait3A_370 = arith.constant 0 : i32
    %dma_wait3A_371 = tpu.memref_slice %arg4[%dma_wait3A_366, %dma_wait3A_369, %dma_wait3A_370] : memref<2x64x768xf32, #tpu.memory_space<vmem>> -> memref<1x64x768xf32, #tpu.memory_space<vmem>>
    %dma_wait3A_372 = tpu.memref_squeeze %dma_wait3A_371 : memref<1x64x768xf32, #tpu.memory_space<vmem>> -> memref<64x768xf32, #tpu.memory_space<vmem>>
    %dma_wait3A_373 = arith.constant 0 : i32
    %dma_wait3A_374 = tpu.memref_slice %arg3[%dma_wait3A_367, %add3A_365, %dma_wait3A_373] : memref<4x8192x768xf32, #tpu.memory_space<hbm>> -> memref<1x64x768xf32, #tpu.memory_space<hbm>>
    %dma_wait3A_375 = tpu.memref_squeeze %dma_wait3A_374 : memref<1x64x768xf32, #tpu.memory_space<hbm>> -> memref<64x768xf32, #tpu.memory_space<hbm>>
    %dma_wait3A_376 = tpu.memref_slice %arg6[%dma_wait3A_368] : memref<2x!tpu.dma_semaphore, #tpu.memory_space<semaphore_mem>> -> memref<1x!tpu.dma_semaphore, #tpu.memory_space<semaphore_mem>>
    %dma_wait3A_377 = tpu.memref_squeeze %dma_wait3A_376 : memref<1x!tpu.dma_semaphore, #tpu.memory_space<semaphore_mem>> -> memref<!tpu.dma_semaphore, #tpu.memory_space<semaphore_mem>>
    %dma_wait3A_378 = arith.constant 0 : i32
    %dma_wait3A_379 = tpu.memref_slice %arg3[%dma_wait3A_367, %add3A_365, %dma_wait3A_378] : memref<4x8192x768xf32, #tpu.memory_space<hbm>> -> memref<1x64x768xf32, #tpu.memory_space<hbm>>
    %dma_wait3A_380 = tpu.memref_squeeze %dma_wait3A_379 : memref<1x64x768xf32, #tpu.memory_space<hbm>> -> memref<64x768xf32, #tpu.memory_space<hbm>>
    %dma_wait3A_381 = arith.constant 0 : i32
    %dma_wait3A_382 = arith.constant 0 : i32
    %dma_wait3A_383 = tpu.memref_slice %arg4[%dma_wait3A_366, %dma_wait3A_381, %dma_wait3A_382] : memref<2x64x768xf32, #tpu.memory_space<vmem>> -> memref<1x64x768xf32, #tpu.memory_space<vmem>>
    %dma_wait3A_384 = tpu.memref_squeeze %dma_wait3A_383 : memref<1x64x768xf32, #tpu.memory_space<vmem>> -> memref<64x768xf32, #tpu.memory_space<vmem>>
    tpu.wait_dma2 semaphore(%dma_wait3A_377 : memref<!tpu.dma_semaphore, #tpu.memory_space<semaphore_mem>>) src(%dma_wait3A_384 : memref<64x768xf32, #tpu.memory_space<vmem>>) dst(%dma_wait3A_380 : memref<64x768xf32, #tpu.memory_space<hbm>>)
    %add3A_385 = arith.constant 64 : i32
    %add3A_386 = arith.addi %mul3A_2, %add3A_385 : i32
    %dma_wait3A_387 = arith.constant 1 : i32
    %dma_wait3A_388 = arith.constant 2 : i32
    %dma_wait3A_389 = arith.constant 1 : i32
    %dma_wait3A_390 = arith.constant 0 : i32
    %dma_wait3A_391 = arith.constant 0 : i32
    %dma_wait3A_392 = tpu.memref_slice %arg4[%dma_wait3A_387, %dma_wait3A_390, %dma_wait3A_391] : memref<2x64x768xf32, #tpu.memory_space<vmem>> -> memref<1x64x768xf32, #tpu.memory_space<vmem>>
    %dma_wait3A_393 = tpu.memref_squeeze %dma_wait3A_392 : memref<1x64x768xf32, #tpu.memory_space<vmem>> -> memref<64x768xf32, #tpu.memory_space<vmem>>
    %dma_wait3A_394 = arith.constant 0 : i32
    %dma_wait3A_395 = tpu.memref_slice %arg3[%dma_wait3A_388, %add3A_386, %dma_wait3A_394] : memref<4x8192x768xf32, #tpu.memory_space<hbm>> -> memref<1x64x768xf32, #tpu.memory_space<hbm>>
    %dma_wait3A_396 = tpu.memref_squeeze %dma_wait3A_395 : memref<1x64x768xf32, #tpu.memory_space<hbm>> -> memref<64x768xf32, #tpu.memory_space<hbm>>
    %dma_wait3A_397 = tpu.memref_slice %arg6[%dma_wait3A_389] : memref<2x!tpu.dma_semaphore, #tpu.memory_space<semaphore_mem>> -> memref<1x!tpu.dma_semaphore, #tpu.memory_space<semaphore_mem>>
    %dma_wait3A_398 = tpu.memref_squeeze %dma_wait3A_397 : memref<1x!tpu.dma_semaphore, #tpu.memory_space<semaphore_mem>> -> memref<!tpu.dma_semaphore, #tpu.memory_space<semaphore_mem>>
    %dma_wait3A_399 = arith.constant 0 : i32
    %dma_wait3A_400 = tpu.memref_slice %arg3[%dma_wait3A_388, %add3A_386, %dma_wait3A_399] : memref<4x8192x768xf32, #tpu.memory_space<hbm>> -> memref<1x64x768xf32, #tpu.memory_space<hbm>>
    %dma_wait3A_401 = tpu.memref_squeeze %dma_wait3A_400 : memref<1x64x768xf32, #tpu.memory_space<hbm>> -> memref<64x768xf32, #tpu.memory_space<hbm>>
    %dma_wait3A_402 = arith.constant 0 : i32
    %dma_wait3A_403 = arith.constant 0 : i32
    %dma_wait3A_404 = tpu.memref_slice %arg4[%dma_wait3A_387, %dma_wait3A_402, %dma_wait3A_403] : memref<2x64x768xf32, #tpu.memory_space<vmem>> -> memref<1x64x768xf32, #tpu.memory_space<vmem>>
    %dma_wait3A_405 = tpu.memref_squeeze %dma_wait3A_404 : memref<1x64x768xf32, #tpu.memory_space<vmem>> -> memref<64x768xf32, #tpu.memory_space<vmem>>
    tpu.wait_dma2 semaphore(%dma_wait3A_398 : memref<!tpu.dma_semaphore, #tpu.memory_space<semaphore_mem>>) src(%dma_wait3A_405 : memref<64x768xf32, #tpu.memory_space<vmem>>) dst(%dma_wait3A_401 : memref<64x768xf32, #tpu.memory_space<hbm>>)
    %add3A_406 = arith.constant 64 : i32
    %add3A_407 = arith.addi %mul3A_2, %add3A_406 : i32
    %dma_wait3A_408 = arith.constant 1 : i32
    %dma_wait3A_409 = arith.constant 3 : i32
    %dma_wait3A_410 = arith.constant 1 : i32
    %dma_wait3A_411 = arith.constant 0 : i32
    %dma_wait3A_412 = arith.constant 0 : i32
    %dma_wait3A_413 = tpu.memref_slice %arg4[%dma_wait3A_408, %dma_wait3A_411, %dma_wait3A_412] : memref<2x64x768xf32, #tpu.memory_space<vmem>> -> memref<1x64x768xf32, #tpu.memory_space<vmem>>
    %dma_wait3A_414 = tpu.memref_squeeze %dma_wait3A_413 : memref<1x64x768xf32, #tpu.memory_space<vmem>> -> memref<64x768xf32, #tpu.memory_space<vmem>>
    %dma_wait3A_415 = arith.constant 0 : i32
    %dma_wait3A_416 = tpu.memref_slice %arg3[%dma_wait3A_409, %add3A_407, %dma_wait3A_415] : memref<4x8192x768xf32, #tpu.memory_space<hbm>> -> memref<1x64x768xf32, #tpu.memory_space<hbm>>
    %dma_wait3A_417 = tpu.memref_squeeze %dma_wait3A_416 : memref<1x64x768xf32, #tpu.memory_space<hbm>> -> memref<64x768xf32, #tpu.memory_space<hbm>>
    %dma_wait3A_418 = tpu.memref_slice %arg6[%dma_wait3A_410] : memref<2x!tpu.dma_semaphore, #tpu.memory_space<semaphore_mem>> -> memref<1x!tpu.dma_semaphore, #tpu.memory_space<semaphore_mem>>
    %dma_wait3A_419 = tpu.memref_squeeze %dma_wait3A_418 : memref<1x!tpu.dma_semaphore, #tpu.memory_space<semaphore_mem>> -> memref<!tpu.dma_semaphore, #tpu.memory_space<semaphore_mem>>
    %dma_wait3A_420 = arith.constant 0 : i32
    %dma_wait3A_421 = tpu.memref_slice %arg3[%dma_wait3A_409, %add3A_407, %dma_wait3A_420] : memref<4x8192x768xf32, #tpu.memory_space<hbm>> -> memref<1x64x768xf32, #tpu.memory_space<hbm>>
    %dma_wait3A_422 = tpu.memref_squeeze %dma_wait3A_421 : memref<1x64x768xf32, #tpu.memory_space<hbm>> -> memref<64x768xf32, #tpu.memory_space<hbm>>
    %dma_wait3A_423 = arith.constant 0 : i32
    %dma_wait3A_424 = arith.constant 0 : i32
    %dma_wait3A_425 = tpu.memref_slice %arg4[%dma_wait3A_408, %dma_wait3A_423, %dma_wait3A_424] : memref<2x64x768xf32, #tpu.memory_space<vmem>> -> memref<1x64x768xf32, #tpu.memory_space<vmem>>
    %dma_wait3A_426 = tpu.memref_squeeze %dma_wait3A_425 : memref<1x64x768xf32, #tpu.memory_space<vmem>> -> memref<64x768xf32, #tpu.memory_space<vmem>>
    tpu.wait_dma2 semaphore(%dma_wait3A_419 : memref<!tpu.dma_semaphore, #tpu.memory_space<semaphore_mem>>) src(%dma_wait3A_426 : memref<64x768xf32, #tpu.memory_space<vmem>>) dst(%dma_wait3A_422 : memref<64x768xf32, #tpu.memory_space<hbm>>)
    %add3A_427 = arith.constant 192 : i32
    %add3A_428 = arith.addi %mul3A_2, %add3A_427 : i32
    %dma_start3A_429 = arith.constant 1 : i32
    %dma_start3A_430 = arith.constant 1 : i32
    %dma_start3A_431 = arith.constant 0 : i32
    %dma_start3A_432 = arith.constant 0 : i32
    %dma_start3A_433 = tpu.memref_slice %arg4[%dma_start3A_429, %dma_start3A_431, %dma_start3A_432] : memref<2x64x768xf32, #tpu.memory_space<vmem>> -> memref<1x64x768xf32, #tpu.memory_space<vmem>>
    %dma_start3A_434 = tpu.memref_squeeze %dma_start3A_433 : memref<1x64x768xf32, #tpu.memory_space<vmem>> -> memref<64x768xf32, #tpu.memory_space<vmem>>
    %dma_start3A_435 = arith.constant 0 : i32
    %dma_start3A_436 = tpu.memref_slice %arg2[%add3A_428, %dma_start3A_435] : memref<8192x768xf32, #tpu.memory_space<hbm>> -> memref<64x768xf32, #tpu.memory_space<hbm>>
    %dma_start3A_437 = tpu.memref_slice %arg5[%dma_start3A_430] : memref<2x!tpu.dma_semaphore, #tpu.memory_space<semaphore_mem>> -> memref<1x!tpu.dma_semaphore, #tpu.memory_space<semaphore_mem>>
    %dma_start3A_438 = tpu.memref_squeeze %dma_start3A_437 : memref<1x!tpu.dma_semaphore, #tpu.memory_space<semaphore_mem>> -> memref<!tpu.dma_semaphore, #tpu.memory_space<semaphore_mem>>
    %dma_start3A_439 = arith.constant 0 : i32
    %dma_start3A_440 = arith.constant 0 : i32
    %dma_start3A_441 = tpu.memref_slice %arg4[%dma_start3A_429, %dma_start3A_439, %dma_start3A_440] : memref<2x64x768xf32, #tpu.memory_space<vmem>> -> memref<1x64x768xf32, #tpu.memory_space<vmem>>
    %dma_start3A_442 = tpu.memref_squeeze %dma_start3A_441 : memref<1x64x768xf32, #tpu.memory_space<vmem>> -> memref<64x768xf32, #tpu.memory_space<vmem>>
    %dma_start3A_443 = arith.constant 0 : i32
    %dma_start3A_444 = tpu.memref_slice %arg2[%add3A_428, %dma_start3A_443] : memref<8192x768xf32, #tpu.memory_space<hbm>> -> memref<64x768xf32, #tpu.memory_space<hbm>>
    tpu.enqueue_dma source(%dma_start3A_444 : memref<64x768xf32, #tpu.memory_space<hbm>>) target(%dma_start3A_442 : memref<64x768xf32, #tpu.memory_space<vmem>>) target_semaphore(%dma_start3A_438 : memref<!tpu.dma_semaphore, #tpu.memory_space<semaphore_mem>>)
    %add3A_445 = arith.constant 128 : i32
    %add3A_446 = arith.addi %mul3A_2, %add3A_445 : i32
    %dma_wait3A_447 = arith.constant 0 : i32
    %dma_wait3A_448 = arith.constant 0 : i32
    %dma_wait3A_449 = arith.constant 0 : i32
    %dma_wait3A_450 = arith.constant 0 : i32
    %dma_wait3A_451 = tpu.memref_slice %arg4[%dma_wait3A_447, %dma_wait3A_449, %dma_wait3A_450] : memref<2x64x768xf32, #tpu.memory_space<vmem>> -> memref<1x64x768xf32, #tpu.memory_space<vmem>>
    %dma_wait3A_452 = tpu.memref_squeeze %dma_wait3A_451 : memref<1x64x768xf32, #tpu.memory_space<vmem>> -> memref<64x768xf32, #tpu.memory_space<vmem>>
    %dma_wait3A_453 = arith.constant 0 : i32
    %dma_wait3A_454 = tpu.memref_slice %arg2[%add3A_446, %dma_wait3A_453] : memref<8192x768xf32, #tpu.memory_space<hbm>> -> memref<64x768xf32, #tpu.memory_space<hbm>>
    %dma_wait3A_455 = tpu.memref_slice %arg5[%dma_wait3A_448] : memref<2x!tpu.dma_semaphore, #tpu.memory_space<semaphore_mem>> -> memref<1x!tpu.dma_semaphore, #tpu.memory_space<semaphore_mem>>
    %dma_wait3A_456 = tpu.memref_squeeze %dma_wait3A_455 : memref<1x!tpu.dma_semaphore, #tpu.memory_space<semaphore_mem>> -> memref<!tpu.dma_semaphore, #tpu.memory_space<semaphore_mem>>
    %dma_wait3A_457 = arith.constant 0 : i32
    %dma_wait3A_458 = arith.constant 0 : i32
    %dma_wait3A_459 = tpu.memref_slice %arg4[%dma_wait3A_447, %dma_wait3A_457, %dma_wait3A_458] : memref<2x64x768xf32, #tpu.memory_space<vmem>> -> memref<1x64x768xf32, #tpu.memory_space<vmem>>
    %dma_wait3A_460 = tpu.memref_squeeze %dma_wait3A_459 : memref<1x64x768xf32, #tpu.memory_space<vmem>> -> memref<64x768xf32, #tpu.memory_space<vmem>>
    %dma_wait3A_461 = arith.constant 0 : i32
    %dma_wait3A_462 = tpu.memref_slice %arg2[%add3A_446, %dma_wait3A_461] : memref<8192x768xf32, #tpu.memory_space<hbm>> -> memref<64x768xf32, #tpu.memory_space<hbm>>
    tpu.wait_dma2 semaphore(%dma_wait3A_456 : memref<!tpu.dma_semaphore, #tpu.memory_space<semaphore_mem>>) src(%dma_wait3A_462 : memref<64x768xf32, #tpu.memory_space<hbm>>) dst(%dma_wait3A_460 : memref<64x768xf32, #tpu.memory_space<vmem>>)
    %add3A_463 = arith.constant 128 : i32
    %add3A_464 = arith.addi %mul3A_2, %add3A_463 : i32
    %dma_start3A_465 = arith.constant 0 : i32
    %dma_start3A_466 = arith.constant 0 : i32
    %dma_start3A_467 = arith.constant 0 : i32
    %dma_start3A_468 = arith.constant 0 : i32
    %dma_start3A_469 = arith.constant 0 : i32
    %dma_start3A_470 = tpu.memref_slice %arg4[%dma_start3A_465, %dma_start3A_468, %dma_start3A_469] : memref<2x64x768xf32, #tpu.memory_space<vmem>> -> memref<1x64x768xf32, #tpu.memory_space<vmem>>
    %dma_start3A_471 = tpu.memref_squeeze %dma_start3A_470 : memref<1x64x768xf32, #tpu.memory_space<vmem>> -> memref<64x768xf32, #tpu.memory_space<vmem>>
    %dma_start3A_472 = arith.constant 0 : i32
    %dma_start3A_473 = tpu.memref_slice %arg3[%dma_start3A_466, %add3A_464, %dma_start3A_472] : memref<4x8192x768xf32, #tpu.memory_space<hbm>> -> memref<1x64x768xf32, #tpu.memory_space<hbm>>
    %dma_start3A_474 = tpu.memref_squeeze %dma_start3A_473 : memref<1x64x768xf32, #tpu.memory_space<hbm>> -> memref<64x768xf32, #tpu.memory_space<hbm>>
    %dma_start3A_475 = tpu.memref_slice %arg6[%dma_start3A_467] : memref<2x!tpu.dma_semaphore, #tpu.memory_space<semaphore_mem>> -> memref<1x!tpu.dma_semaphore, #tpu.memory_space<semaphore_mem>>
    %dma_start3A_476 = tpu.memref_squeeze %dma_start3A_475 : memref<1x!tpu.dma_semaphore, #tpu.memory_space<semaphore_mem>> -> memref<!tpu.dma_semaphore, #tpu.memory_space<semaphore_mem>>
    %dma_start3A_477 = arith.constant 0 : i32
    %dma_start3A_478 = tpu.memref_slice %arg3[%dma_start3A_466, %add3A_464, %dma_start3A_477] : memref<4x8192x768xf32, #tpu.memory_space<hbm>> -> memref<1x64x768xf32, #tpu.memory_space<hbm>>
    %dma_start3A_479 = tpu.memref_squeeze %dma_start3A_478 : memref<1x64x768xf32, #tpu.memory_space<hbm>> -> memref<64x768xf32, #tpu.memory_space<hbm>>
    %dma_start3A_480 = arith.constant 0 : i32
    %dma_start3A_481 = arith.constant 0 : i32
    %dma_start3A_482 = tpu.memref_slice %arg4[%dma_start3A_465, %dma_start3A_480, %dma_start3A_481] : memref<2x64x768xf32, #tpu.memory_space<vmem>> -> memref<1x64x768xf32, #tpu.memory_space<vmem>>
    %dma_start3A_483 = tpu.memref_squeeze %dma_start3A_482 : memref<1x64x768xf32, #tpu.memory_space<vmem>> -> memref<64x768xf32, #tpu.memory_space<vmem>>
    tpu.enqueue_dma source(%dma_start3A_483 : memref<64x768xf32, #tpu.memory_space<vmem>>) target(%dma_start3A_479 : memref<64x768xf32, #tpu.memory_space<hbm>>) target_semaphore(%dma_start3A_476 : memref<!tpu.dma_semaphore, #tpu.memory_space<semaphore_mem>>)
    %add3A_484 = arith.constant 128 : i32
    %add3A_485 = arith.addi %mul3A_2, %add3A_484 : i32
    %dma_start3A_486 = arith.constant 0 : i32
    %dma_start3A_487 = arith.constant 1 : i32
    %dma_start3A_488 = arith.constant 0 : i32
    %dma_start3A_489 = arith.constant 0 : i32
    %dma_start3A_490 = arith.constant 0 : i32
    %dma_start3A_491 = tpu.memref_slice %arg4[%dma_start3A_486, %dma_start3A_489, %dma_start3A_490] : memref<2x64x768xf32, #tpu.memory_space<vmem>> -> memref<1x64x768xf32, #tpu.memory_space<vmem>>
    %dma_start3A_492 = tpu.memref_squeeze %dma_start3A_491 : memref<1x64x768xf32, #tpu.memory_space<vmem>> -> memref<64x768xf32, #tpu.memory_space<vmem>>
    %dma_start3A_493 = arith.constant 0 : i32
    %dma_start3A_494 = tpu.memref_slice %arg3[%dma_start3A_487, %add3A_485, %dma_start3A_493] : memref<4x8192x768xf32, #tpu.memory_space<hbm>> -> memref<1x64x768xf32, #tpu.memory_space<hbm>>
    %dma_start3A_495 = tpu.memref_squeeze %dma_start3A_494 : memref<1x64x768xf32, #tpu.memory_space<hbm>> -> memref<64x768xf32, #tpu.memory_space<hbm>>
    %dma_start3A_496 = tpu.memref_slice %arg6[%dma_start3A_488] : memref<2x!tpu.dma_semaphore, #tpu.memory_space<semaphore_mem>> -> memref<1x!tpu.dma_semaphore, #tpu.memory_space<semaphore_mem>>
    %dma_start3A_497 = tpu.memref_squeeze %dma_start3A_496 : memref<1x!tpu.dma_semaphore, #tpu.memory_space<semaphore_mem>> -> memref<!tpu.dma_semaphore, #tpu.memory_space<semaphore_mem>>
    %dma_start3A_498 = arith.constant 0 : i32
    %dma_start3A_499 = tpu.memref_slice %arg3[%dma_start3A_487, %add3A_485, %dma_start3A_498] : memref<4x8192x768xf32, #tpu.memory_space<hbm>> -> memref<1x64x768xf32, #tpu.memory_space<hbm>>
    %dma_start3A_500 = tpu.memref_squeeze %dma_start3A_499 : memref<1x64x768xf32, #tpu.memory_space<hbm>> -> memref<64x768xf32, #tpu.memory_space<hbm>>
    %dma_start3A_501 = arith.constant 0 : i32
    %dma_start3A_502 = arith.constant 0 : i32
    %dma_start3A_503 = tpu.memref_slice %arg4[%dma_start3A_486, %dma_start3A_501, %dma_start3A_502] : memref<2x64x768xf32, #tpu.memory_space<vmem>> -> memref<1x64x768xf32, #tpu.memory_space<vmem>>
    %dma_start3A_504 = tpu.memref_squeeze %dma_start3A_503 : memref<1x64x768xf32, #tpu.memory_space<vmem>> -> memref<64x768xf32, #tpu.memory_space<vmem>>
    tpu.enqueue_dma source(%dma_start3A_504 : memref<64x768xf32, #tpu.memory_space<vmem>>) target(%dma_start3A_500 : memref<64x768xf32, #tpu.memory_space<hbm>>) target_semaphore(%dma_start3A_497 : memref<!tpu.dma_semaphore, #tpu.memory_space<semaphore_mem>>)
    %add3A_505 = arith.constant 128 : i32
    %add3A_506 = arith.addi %mul3A_2, %add3A_505 : i32
    %dma_start3A_507 = arith.constant 0 : i32
    %dma_start3A_508 = arith.constant 2 : i32
    %dma_start3A_509 = arith.constant 0 : i32
    %dma_start3A_510 = arith.constant 0 : i32
    %dma_start3A_511 = arith.constant 0 : i32
    %dma_start3A_512 = tpu.memref_slice %arg4[%dma_start3A_507, %dma_start3A_510, %dma_start3A_511] : memref<2x64x768xf32, #tpu.memory_space<vmem>> -> memref<1x64x768xf32, #tpu.memory_space<vmem>>
    %dma_start3A_513 = tpu.memref_squeeze %dma_start3A_512 : memref<1x64x768xf32, #tpu.memory_space<vmem>> -> memref<64x768xf32, #tpu.memory_space<vmem>>
    %dma_start3A_514 = arith.constant 0 : i32
    %dma_start3A_515 = tpu.memref_slice %arg3[%dma_start3A_508, %add3A_506, %dma_start3A_514] : memref<4x8192x768xf32, #tpu.memory_space<hbm>> -> memref<1x64x768xf32, #tpu.memory_space<hbm>>
    %dma_start3A_516 = tpu.memref_squeeze %dma_start3A_515 : memref<1x64x768xf32, #tpu.memory_space<hbm>> -> memref<64x768xf32, #tpu.memory_space<hbm>>
    %dma_start3A_517 = tpu.memref_slice %arg6[%dma_start3A_509] : memref<2x!tpu.dma_semaphore, #tpu.memory_space<semaphore_mem>> -> memref<1x!tpu.dma_semaphore, #tpu.memory_space<semaphore_mem>>
    %dma_start3A_518 = tpu.memref_squeeze %dma_start3A_517 : memref<1x!tpu.dma_semaphore, #tpu.memory_space<semaphore_mem>> -> memref<!tpu.dma_semaphore, #tpu.memory_space<semaphore_mem>>
    %dma_start3A_519 = arith.constant 0 : i32
    %dma_start3A_520 = tpu.memref_slice %arg3[%dma_start3A_508, %add3A_506, %dma_start3A_519] : memref<4x8192x768xf32, #tpu.memory_space<hbm>> -> memref<1x64x768xf32, #tpu.memory_space<hbm>>
    %dma_start3A_521 = tpu.memref_squeeze %dma_start3A_520 : memref<1x64x768xf32, #tpu.memory_space<hbm>> -> memref<64x768xf32, #tpu.memory_space<hbm>>
    %dma_start3A_522 = arith.constant 0 : i32
    %dma_start3A_523 = arith.constant 0 : i32
    %dma_start3A_524 = tpu.memref_slice %arg4[%dma_start3A_507, %dma_start3A_522, %dma_start3A_523] : memref<2x64x768xf32, #tpu.memory_space<vmem>> -> memref<1x64x768xf32, #tpu.memory_space<vmem>>
    %dma_start3A_525 = tpu.memref_squeeze %dma_start3A_524 : memref<1x64x768xf32, #tpu.memory_space<vmem>> -> memref<64x768xf32, #tpu.memory_space<vmem>>
    tpu.enqueue_dma source(%dma_start3A_525 : memref<64x768xf32, #tpu.memory_space<vmem>>) target(%dma_start3A_521 : memref<64x768xf32, #tpu.memory_space<hbm>>) target_semaphore(%dma_start3A_518 : memref<!tpu.dma_semaphore, #tpu.memory_space<semaphore_mem>>)
    %add3A_526 = arith.constant 128 : i32
    %add3A_527 = arith.addi %mul3A_2, %add3A_526 : i32
    %dma_start3A_528 = arith.constant 0 : i32
    %dma_start3A_529 = arith.constant 3 : i32
    %dma_start3A_530 = arith.constant 0 : i32
    %dma_start3A_531 = arith.constant 0 : i32
    %dma_start3A_532 = arith.constant 0 : i32
    %dma_start3A_533 = tpu.memref_slice %arg4[%dma_start3A_528, %dma_start3A_531, %dma_start3A_532] : memref<2x64x768xf32, #tpu.memory_space<vmem>> -> memref<1x64x768xf32, #tpu.memory_space<vmem>>
    %dma_start3A_534 = tpu.memref_squeeze %dma_start3A_533 : memref<1x64x768xf32, #tpu.memory_space<vmem>> -> memref<64x768xf32, #tpu.memory_space<vmem>>
    %dma_start3A_535 = arith.constant 0 : i32
    %dma_start3A_536 = tpu.memref_slice %arg3[%dma_start3A_529, %add3A_527, %dma_start3A_535] : memref<4x8192x768xf32, #tpu.memory_space<hbm>> -> memref<1x64x768xf32, #tpu.memory_space<hbm>>
    %dma_start3A_537 = tpu.memref_squeeze %dma_start3A_536 : memref<1x64x768xf32, #tpu.memory_space<hbm>> -> memref<64x768xf32, #tpu.memory_space<hbm>>
    %dma_start3A_538 = tpu.memref_slice %arg6[%dma_start3A_530] : memref<2x!tpu.dma_semaphore, #tpu.memory_space<semaphore_mem>> -> memref<1x!tpu.dma_semaphore, #tpu.memory_space<semaphore_mem>>
    %dma_start3A_539 = tpu.memref_squeeze %dma_start3A_538 : memref<1x!tpu.dma_semaphore, #tpu.memory_space<semaphore_mem>> -> memref<!tpu.dma_semaphore, #tpu.memory_space<semaphore_mem>>
    %dma_start3A_540 = arith.constant 0 : i32
    %dma_start3A_541 = tpu.memref_slice %arg3[%dma_start3A_529, %add3A_527, %dma_start3A_540] : memref<4x8192x768xf32, #tpu.memory_space<hbm>> -> memref<1x64x768xf32, #tpu.memory_space<hbm>>
    %dma_start3A_542 = tpu.memref_squeeze %dma_start3A_541 : memref<1x64x768xf32, #tpu.memory_space<hbm>> -> memref<64x768xf32, #tpu.memory_space<hbm>>
    %dma_start3A_543 = arith.constant 0 : i32
    %dma_start3A_544 = arith.constant 0 : i32
    %dma_start3A_545 = tpu.memref_slice %arg4[%dma_start3A_528, %dma_start3A_543, %dma_start3A_544] : memref<2x64x768xf32, #tpu.memory_space<vmem>> -> memref<1x64x768xf32, #tpu.memory_space<vmem>>
    %dma_start3A_546 = tpu.memref_squeeze %dma_start3A_545 : memref<1x64x768xf32, #tpu.memory_space<vmem>> -> memref<64x768xf32, #tpu.memory_space<vmem>>
    tpu.enqueue_dma source(%dma_start3A_546 : memref<64x768xf32, #tpu.memory_space<vmem>>) target(%dma_start3A_542 : memref<64x768xf32, #tpu.memory_space<hbm>>) target_semaphore(%dma_start3A_539 : memref<!tpu.dma_semaphore, #tpu.memory_space<semaphore_mem>>)
    %add3A_547 = arith.constant 192 : i32
    %add3A_548 = arith.addi %mul3A_2, %add3A_547 : i32
    %dma_wait3A_549 = arith.constant 1 : i32
    %dma_wait3A_550 = arith.constant 1 : i32
    %dma_wait3A_551 = arith.constant 0 : i32
    %dma_wait3A_552 = arith.constant 0 : i32
    %dma_wait3A_553 = tpu.memref_slice %arg4[%dma_wait3A_549, %dma_wait3A_551, %dma_wait3A_552] : memref<2x64x768xf32, #tpu.memory_space<vmem>> -> memref<1x64x768xf32, #tpu.memory_space<vmem>>
    %dma_wait3A_554 = tpu.memref_squeeze %dma_wait3A_553 : memref<1x64x768xf32, #tpu.memory_space<vmem>> -> memref<64x768xf32, #tpu.memory_space<vmem>>
    %dma_wait3A_555 = arith.constant 0 : i32
    %dma_wait3A_556 = tpu.memref_slice %arg2[%add3A_548, %dma_wait3A_555] : memref<8192x768xf32, #tpu.memory_space<hbm>> -> memref<64x768xf32, #tpu.memory_space<hbm>>
    %dma_wait3A_557 = tpu.memref_slice %arg5[%dma_wait3A_550] : memref<2x!tpu.dma_semaphore, #tpu.memory_space<semaphore_mem>> -> memref<1x!tpu.dma_semaphore, #tpu.memory_space<semaphore_mem>>
    %dma_wait3A_558 = tpu.memref_squeeze %dma_wait3A_557 : memref<1x!tpu.dma_semaphore, #tpu.memory_space<semaphore_mem>> -> memref<!tpu.dma_semaphore, #tpu.memory_space<semaphore_mem>>
    %dma_wait3A_559 = arith.constant 0 : i32
    %dma_wait3A_560 = arith.constant 0 : i32
    %dma_wait3A_561 = tpu.memref_slice %arg4[%dma_wait3A_549, %dma_wait3A_559, %dma_wait3A_560] : memref<2x64x768xf32, #tpu.memory_space<vmem>> -> memref<1x64x768xf32, #tpu.memory_space<vmem>>
    %dma_wait3A_562 = tpu.memref_squeeze %dma_wait3A_561 : memref<1x64x768xf32, #tpu.memory_space<vmem>> -> memref<64x768xf32, #tpu.memory_space<vmem>>
    %dma_wait3A_563 = arith.constant 0 : i32
    %dma_wait3A_564 = tpu.memref_slice %arg2[%add3A_548, %dma_wait3A_563] : memref<8192x768xf32, #tpu.memory_space<hbm>> -> memref<64x768xf32, #tpu.memory_space<hbm>>
    tpu.wait_dma2 semaphore(%dma_wait3A_558 : memref<!tpu.dma_semaphore, #tpu.memory_space<semaphore_mem>>) src(%dma_wait3A_564 : memref<64x768xf32, #tpu.memory_space<hbm>>) dst(%dma_wait3A_562 : memref<64x768xf32, #tpu.memory_space<vmem>>)
    %add3A_565 = arith.constant 192 : i32
    %add3A_566 = arith.addi %mul3A_2, %add3A_565 : i32
    %dma_start3A_567 = arith.constant 1 : i32
    %dma_start3A_568 = arith.constant 0 : i32
    %dma_start3A_569 = arith.constant 1 : i32
    %dma_start3A_570 = arith.constant 0 : i32
    %dma_start3A_571 = arith.constant 0 : i32
    %dma_start3A_572 = tpu.memref_slice %arg4[%dma_start3A_567, %dma_start3A_570, %dma_start3A_571] : memref<2x64x768xf32, #tpu.memory_space<vmem>> -> memref<1x64x768xf32, #tpu.memory_space<vmem>>
    %dma_start3A_573 = tpu.memref_squeeze %dma_start3A_572 : memref<1x64x768xf32, #tpu.memory_space<vmem>> -> memref<64x768xf32, #tpu.memory_space<vmem>>
    %dma_start3A_574 = arith.constant 0 : i32
    %dma_start3A_575 = tpu.memref_slice %arg3[%dma_start3A_568, %add3A_566, %dma_start3A_574] : memref<4x8192x768xf32, #tpu.memory_space<hbm>> -> memref<1x64x768xf32, #tpu.memory_space<hbm>>
    %dma_start3A_576 = tpu.memref_squeeze %dma_start3A_575 : memref<1x64x768xf32, #tpu.memory_space<hbm>> -> memref<64x768xf32, #tpu.memory_space<hbm>>
    %dma_start3A_577 = tpu.memref_slice %arg6[%dma_start3A_569] : memref<2x!tpu.dma_semaphore, #tpu.memory_space<semaphore_mem>> -> memref<1x!tpu.dma_semaphore, #tpu.memory_space<semaphore_mem>>
    %dma_start3A_578 = tpu.memref_squeeze %dma_start3A_577 : memref<1x!tpu.dma_semaphore, #tpu.memory_space<semaphore_mem>> -> memref<!tpu.dma_semaphore, #tpu.memory_space<semaphore_mem>>
    %dma_start3A_579 = arith.constant 0 : i32
    %dma_start3A_580 = tpu.memref_slice %arg3[%dma_start3A_568, %add3A_566, %dma_start3A_579] : memref<4x8192x768xf32, #tpu.memory_space<hbm>> -> memref<1x64x768xf32, #tpu.memory_space<hbm>>
    %dma_start3A_581 = tpu.memref_squeeze %dma_start3A_580 : memref<1x64x768xf32, #tpu.memory_space<hbm>> -> memref<64x768xf32, #tpu.memory_space<hbm>>
    %dma_start3A_582 = arith.constant 0 : i32
    %dma_start3A_583 = arith.constant 0 : i32
    %dma_start3A_584 = tpu.memref_slice %arg4[%dma_start3A_567, %dma_start3A_582, %dma_start3A_583] : memref<2x64x768xf32, #tpu.memory_space<vmem>> -> memref<1x64x768xf32, #tpu.memory_space<vmem>>
    %dma_start3A_585 = tpu.memref_squeeze %dma_start3A_584 : memref<1x64x768xf32, #tpu.memory_space<vmem>> -> memref<64x768xf32, #tpu.memory_space<vmem>>
    tpu.enqueue_dma source(%dma_start3A_585 : memref<64x768xf32, #tpu.memory_space<vmem>>) target(%dma_start3A_581 : memref<64x768xf32, #tpu.memory_space<hbm>>) target_semaphore(%dma_start3A_578 : memref<!tpu.dma_semaphore, #tpu.memory_space<semaphore_mem>>)
    %add3A_586 = arith.constant 192 : i32
    %add3A_587 = arith.addi %mul3A_2, %add3A_586 : i32
    %dma_start3A_588 = arith.constant 1 : i32
    %dma_start3A_589 = arith.constant 1 : i32
    %dma_start3A_590 = arith.constant 1 : i32
    %dma_start3A_591 = arith.constant 0 : i32
    %dma_start3A_592 = arith.constant 0 : i32
    %dma_start3A_593 = tpu.memref_slice %arg4[%dma_start3A_588, %dma_start3A_591, %dma_start3A_592] : memref<2x64x768xf32, #tpu.memory_space<vmem>> -> memref<1x64x768xf32, #tpu.memory_space<vmem>>
    %dma_start3A_594 = tpu.memref_squeeze %dma_start3A_593 : memref<1x64x768xf32, #tpu.memory_space<vmem>> -> memref<64x768xf32, #tpu.memory_space<vmem>>
    %dma_start3A_595 = arith.constant 0 : i32
    %dma_start3A_596 = tpu.memref_slice %arg3[%dma_start3A_589, %add3A_587, %dma_start3A_595] : memref<4x8192x768xf32, #tpu.memory_space<hbm>> -> memref<1x64x768xf32, #tpu.memory_space<hbm>>
    %dma_start3A_597 = tpu.memref_squeeze %dma_start3A_596 : memref<1x64x768xf32, #tpu.memory_space<hbm>> -> memref<64x768xf32, #tpu.memory_space<hbm>>
    %dma_start3A_598 = tpu.memref_slice %arg6[%dma_start3A_590] : memref<2x!tpu.dma_semaphore, #tpu.memory_space<semaphore_mem>> -> memref<1x!tpu.dma_semaphore, #tpu.memory_space<semaphore_mem>>
    %dma_start3A_599 = tpu.memref_squeeze %dma_start3A_598 : memref<1x!tpu.dma_semaphore, #tpu.memory_space<semaphore_mem>> -> memref<!tpu.dma_semaphore, #tpu.memory_space<semaphore_mem>>
    %dma_start3A_600 = arith.constant 0 : i32
    %dma_start3A_601 = tpu.memref_slice %arg3[%dma_start3A_589, %add3A_587, %dma_start3A_600] : memref<4x8192x768xf32, #tpu.memory_space<hbm>> -> memref<1x64x768xf32, #tpu.memory_space<hbm>>
    %dma_start3A_602 = tpu.memref_squeeze %dma_start3A_601 : memref<1x64x768xf32, #tpu.memory_space<hbm>> -> memref<64x768xf32, #tpu.memory_space<hbm>>
    %dma_start3A_603 = arith.constant 0 : i32
    %dma_start3A_604 = arith.constant 0 : i32
    %dma_start3A_605 = tpu.memref_slice %arg4[%dma_start3A_588, %dma_start3A_603, %dma_start3A_604] : memref<2x64x768xf32, #tpu.memory_space<vmem>> -> memref<1x64x768xf32, #tpu.memory_space<vmem>>
    %dma_start3A_606 = tpu.memref_squeeze %dma_start3A_605 : memref<1x64x768xf32, #tpu.memory_space<vmem>> -> memref<64x768xf32, #tpu.memory_space<vmem>>
    tpu.enqueue_dma source(%dma_start3A_606 : memref<64x768xf32, #tpu.memory_space<vmem>>) target(%dma_start3A_602 : memref<64x768xf32, #tpu.memory_space<hbm>>) target_semaphore(%dma_start3A_599 : memref<!tpu.dma_semaphore, #tpu.memory_space<semaphore_mem>>)
    %add3A_607 = arith.constant 192 : i32
    %add3A_608 = arith.addi %mul3A_2, %add3A_607 : i32
    %dma_start3A_609 = arith.constant 1 : i32
    %dma_start3A_610 = arith.constant 2 : i32
    %dma_start3A_611 = arith.constant 1 : i32
    %dma_start3A_612 = arith.constant 0 : i32
    %dma_start3A_613 = arith.constant 0 : i32
    %dma_start3A_614 = tpu.memref_slice %arg4[%dma_start3A_609, %dma_start3A_612, %dma_start3A_613] : memref<2x64x768xf32, #tpu.memory_space<vmem>> -> memref<1x64x768xf32, #tpu.memory_space<vmem>>
    %dma_start3A_615 = tpu.memref_squeeze %dma_start3A_614 : memref<1x64x768xf32, #tpu.memory_space<vmem>> -> memref<64x768xf32, #tpu.memory_space<vmem>>
    %dma_start3A_616 = arith.constant 0 : i32
    %dma_start3A_617 = tpu.memref_slice %arg3[%dma_start3A_610, %add3A_608, %dma_start3A_616] : memref<4x8192x768xf32, #tpu.memory_space<hbm>> -> memref<1x64x768xf32, #tpu.memory_space<hbm>>
    %dma_start3A_618 = tpu.memref_squeeze %dma_start3A_617 : memref<1x64x768xf32, #tpu.memory_space<hbm>> -> memref<64x768xf32, #tpu.memory_space<hbm>>
    %dma_start3A_619 = tpu.memref_slice %arg6[%dma_start3A_611] : memref<2x!tpu.dma_semaphore, #tpu.memory_space<semaphore_mem>> -> memref<1x!tpu.dma_semaphore, #tpu.memory_space<semaphore_mem>>
    %dma_start3A_620 = tpu.memref_squeeze %dma_start3A_619 : memref<1x!tpu.dma_semaphore, #tpu.memory_space<semaphore_mem>> -> memref<!tpu.dma_semaphore, #tpu.memory_space<semaphore_mem>>
    %dma_start3A_621 = arith.constant 0 : i32
    %dma_start3A_622 = tpu.memref_slice %arg3[%dma_start3A_610, %add3A_608, %dma_start3A_621] : memref<4x8192x768xf32, #tpu.memory_space<hbm>> -> memref<1x64x768xf32, #tpu.memory_space<hbm>>
    %dma_start3A_623 = tpu.memref_squeeze %dma_start3A_622 : memref<1x64x768xf32, #tpu.memory_space<hbm>> -> memref<64x768xf32, #tpu.memory_space<hbm>>
    %dma_start3A_624 = arith.constant 0 : i32
    %dma_start3A_625 = arith.constant 0 : i32
    %dma_start3A_626 = tpu.memref_slice %arg4[%dma_start3A_609, %dma_start3A_624, %dma_start3A_625] : memref<2x64x768xf32, #tpu.memory_space<vmem>> -> memref<1x64x768xf32, #tpu.memory_space<vmem>>
    %dma_start3A_627 = tpu.memref_squeeze %dma_start3A_626 : memref<1x64x768xf32, #tpu.memory_space<vmem>> -> memref<64x768xf32, #tpu.memory_space<vmem>>
    tpu.enqueue_dma source(%dma_start3A_627 : memref<64x768xf32, #tpu.memory_space<vmem>>) target(%dma_start3A_623 : memref<64x768xf32, #tpu.memory_space<hbm>>) target_semaphore(%dma_start3A_620 : memref<!tpu.dma_semaphore, #tpu.memory_space<semaphore_mem>>)
    %add3A_628 = arith.constant 192 : i32
    %add3A_629 = arith.addi %mul3A_2, %add3A_628 : i32
    %dma_start3A_630 = arith.constant 1 : i32
    %dma_start3A_631 = arith.constant 3 : i32
    %dma_start3A_632 = arith.constant 1 : i32
    %dma_start3A_633 = arith.constant 0 : i32
    %dma_start3A_634 = arith.constant 0 : i32
    %dma_start3A_635 = tpu.memref_slice %arg4[%dma_start3A_630, %dma_start3A_633, %dma_start3A_634] : memref<2x64x768xf32, #tpu.memory_space<vmem>> -> memref<1x64x768xf32, #tpu.memory_space<vmem>>
    %dma_start3A_636 = tpu.memref_squeeze %dma_start3A_635 : memref<1x64x768xf32, #tpu.memory_space<vmem>> -> memref<64x768xf32, #tpu.memory_space<vmem>>
    %dma_start3A_637 = arith.constant 0 : i32
    %dma_start3A_638 = tpu.memref_slice %arg3[%dma_start3A_631, %add3A_629, %dma_start3A_637] : memref<4x8192x768xf32, #tpu.memory_space<hbm>> -> memref<1x64x768xf32, #tpu.memory_space<hbm>>
    %dma_start3A_639 = tpu.memref_squeeze %dma_start3A_638 : memref<1x64x768xf32, #tpu.memory_space<hbm>> -> memref<64x768xf32, #tpu.memory_space<hbm>>
    %dma_start3A_640 = tpu.memref_slice %arg6[%dma_start3A_632] : memref<2x!tpu.dma_semaphore, #tpu.memory_space<semaphore_mem>> -> memref<1x!tpu.dma_semaphore, #tpu.memory_space<semaphore_mem>>
    %dma_start3A_641 = tpu.memref_squeeze %dma_start3A_640 : memref<1x!tpu.dma_semaphore, #tpu.memory_space<semaphore_mem>> -> memref<!tpu.dma_semaphore, #tpu.memory_space<semaphore_mem>>
    %dma_start3A_642 = arith.constant 0 : i32
    %dma_start3A_643 = tpu.memref_slice %arg3[%dma_start3A_631, %add3A_629, %dma_start3A_642] : memref<4x8192x768xf32, #tpu.memory_space<hbm>> -> memref<1x64x768xf32, #tpu.memory_space<hbm>>
    %dma_start3A_644 = tpu.memref_squeeze %dma_start3A_643 : memref<1x64x768xf32, #tpu.memory_space<hbm>> -> memref<64x768xf32, #tpu.memory_space<hbm>>
    %dma_start3A_645 = arith.constant 0 : i32
    %dma_start3A_646 = arith.constant 0 : i32
    %dma_start3A_647 = tpu.memref_slice %arg4[%dma_start3A_630, %dma_start3A_645, %dma_start3A_646] : memref<2x64x768xf32, #tpu.memory_space<vmem>> -> memref<1x64x768xf32, #tpu.memory_space<vmem>>
    %dma_start3A_648 = tpu.memref_squeeze %dma_start3A_647 : memref<1x64x768xf32, #tpu.memory_space<vmem>> -> memref<64x768xf32, #tpu.memory_space<vmem>>
    tpu.enqueue_dma source(%dma_start3A_648 : memref<64x768xf32, #tpu.memory_space<vmem>>) target(%dma_start3A_644 : memref<64x768xf32, #tpu.memory_space<hbm>>) target_semaphore(%dma_start3A_641 : memref<!tpu.dma_semaphore, #tpu.memory_space<semaphore_mem>>)
    %add3A_649 = arith.constant 128 : i32
    %add3A_650 = arith.addi %mul3A_2, %add3A_649 : i32
    %dma_wait3A_651 = arith.constant 0 : i32
    %dma_wait3A_652 = arith.constant 0 : i32
    %dma_wait3A_653 = arith.constant 0 : i32
    %dma_wait3A_654 = arith.constant 0 : i32
    %dma_wait3A_655 = arith.constant 0 : i32
    %dma_wait3A_656 = tpu.memref_slice %arg4[%dma_wait3A_651, %dma_wait3A_654, %dma_wait3A_655] : memref<2x64x768xf32, #tpu.memory_space<vmem>> -> memref<1x64x768xf32, #tpu.memory_space<vmem>>
    %dma_wait3A_657 = tpu.memref_squeeze %dma_wait3A_656 : memref<1x64x768xf32, #tpu.memory_space<vmem>> -> memref<64x768xf32, #tpu.memory_space<vmem>>
    %dma_wait3A_658 = arith.constant 0 : i32
    %dma_wait3A_659 = tpu.memref_slice %arg3[%dma_wait3A_652, %add3A_650, %dma_wait3A_658] : memref<4x8192x768xf32, #tpu.memory_space<hbm>> -> memref<1x64x768xf32, #tpu.memory_space<hbm>>
    %dma_wait3A_660 = tpu.memref_squeeze %dma_wait3A_659 : memref<1x64x768xf32, #tpu.memory_space<hbm>> -> memref<64x768xf32, #tpu.memory_space<hbm>>
    %dma_wait3A_661 = tpu.memref_slice %arg6[%dma_wait3A_653] : memref<2x!tpu.dma_semaphore, #tpu.memory_space<semaphore_mem>> -> memref<1x!tpu.dma_semaphore, #tpu.memory_space<semaphore_mem>>
    %dma_wait3A_662 = tpu.memref_squeeze %dma_wait3A_661 : memref<1x!tpu.dma_semaphore, #tpu.memory_space<semaphore_mem>> -> memref<!tpu.dma_semaphore, #tpu.memory_space<semaphore_mem>>
    %dma_wait3A_663 = arith.constant 0 : i32
    %dma_wait3A_664 = tpu.memref_slice %arg3[%dma_wait3A_652, %add3A_650, %dma_wait3A_663] : memref<4x8192x768xf32, #tpu.memory_space<hbm>> -> memref<1x64x768xf32, #tpu.memory_space<hbm>>
    %dma_wait3A_665 = tpu.memref_squeeze %dma_wait3A_664 : memref<1x64x768xf32, #tpu.memory_space<hbm>> -> memref<64x768xf32, #tpu.memory_space<hbm>>
    %dma_wait3A_666 = arith.constant 0 : i32
    %dma_wait3A_667 = arith.constant 0 : i32
    %dma_wait3A_668 = tpu.memref_slice %arg4[%dma_wait3A_651, %dma_wait3A_666, %dma_wait3A_667] : memref<2x64x768xf32, #tpu.memory_space<vmem>> -> memref<1x64x768xf32, #tpu.memory_space<vmem>>
    %dma_wait3A_669 = tpu.memref_squeeze %dma_wait3A_668 : memref<1x64x768xf32, #tpu.memory_space<vmem>> -> memref<64x768xf32, #tpu.memory_space<vmem>>
    tpu.wait_dma2 semaphore(%dma_wait3A_662 : memref<!tpu.dma_semaphore, #tpu.memory_space<semaphore_mem>>) src(%dma_wait3A_669 : memref<64x768xf32, #tpu.memory_space<vmem>>) dst(%dma_wait3A_665 : memref<64x768xf32, #tpu.memory_space<hbm>>)
    %add3A_670 = arith.constant 128 : i32
    %add3A_671 = arith.addi %mul3A_2, %add3A_670 : i32
    %dma_wait3A_672 = arith.constant 0 : i32
    %dma_wait3A_673 = arith.constant 1 : i32
    %dma_wait3A_674 = arith.constant 0 : i32
    %dma_wait3A_675 = arith.constant 0 : i32
    %dma_wait3A_676 = arith.constant 0 : i32
    %dma_wait3A_677 = tpu.memref_slice %arg4[%dma_wait3A_672, %dma_wait3A_675, %dma_wait3A_676] : memref<2x64x768xf32, #tpu.memory_space<vmem>> -> memref<1x64x768xf32, #tpu.memory_space<vmem>>
    %dma_wait3A_678 = tpu.memref_squeeze %dma_wait3A_677 : memref<1x64x768xf32, #tpu.memory_space<vmem>> -> memref<64x768xf32, #tpu.memory_space<vmem>>
    %dma_wait3A_679 = arith.constant 0 : i32
    %dma_wait3A_680 = tpu.memref_slice %arg3[%dma_wait3A_673, %add3A_671, %dma_wait3A_679] : memref<4x8192x768xf32, #tpu.memory_space<hbm>> -> memref<1x64x768xf32, #tpu.memory_space<hbm>>
    %dma_wait3A_681 = tpu.memref_squeeze %dma_wait3A_680 : memref<1x64x768xf32, #tpu.memory_space<hbm>> -> memref<64x768xf32, #tpu.memory_space<hbm>>
    %dma_wait3A_682 = tpu.memref_slice %arg6[%dma_wait3A_674] : memref<2x!tpu.dma_semaphore, #tpu.memory_space<semaphore_mem>> -> memref<1x!tpu.dma_semaphore, #tpu.memory_space<semaphore_mem>>
    %dma_wait3A_683 = tpu.memref_squeeze %dma_wait3A_682 : memref<1x!tpu.dma_semaphore, #tpu.memory_space<semaphore_mem>> -> memref<!tpu.dma_semaphore, #tpu.memory_space<semaphore_mem>>
    %dma_wait3A_684 = arith.constant 0 : i32
    %dma_wait3A_685 = tpu.memref_slice %arg3[%dma_wait3A_673, %add3A_671, %dma_wait3A_684] : memref<4x8192x768xf32, #tpu.memory_space<hbm>> -> memref<1x64x768xf32, #tpu.memory_space<hbm>>
    %dma_wait3A_686 = tpu.memref_squeeze %dma_wait3A_685 : memref<1x64x768xf32, #tpu.memory_space<hbm>> -> memref<64x768xf32, #tpu.memory_space<hbm>>
    %dma_wait3A_687 = arith.constant 0 : i32
    %dma_wait3A_688 = arith.constant 0 : i32
    %dma_wait3A_689 = tpu.memref_slice %arg4[%dma_wait3A_672, %dma_wait3A_687, %dma_wait3A_688] : memref<2x64x768xf32, #tpu.memory_space<vmem>> -> memref<1x64x768xf32, #tpu.memory_space<vmem>>
    %dma_wait3A_690 = tpu.memref_squeeze %dma_wait3A_689 : memref<1x64x768xf32, #tpu.memory_space<vmem>> -> memref<64x768xf32, #tpu.memory_space<vmem>>
    tpu.wait_dma2 semaphore(%dma_wait3A_683 : memref<!tpu.dma_semaphore, #tpu.memory_space<semaphore_mem>>) src(%dma_wait3A_690 : memref<64x768xf32, #tpu.memory_space<vmem>>) dst(%dma_wait3A_686 : memref<64x768xf32, #tpu.memory_space<hbm>>)
    %add3A_691 = arith.constant 128 : i32
    %add3A_692 = arith.addi %mul3A_2, %add3A_691 : i32
    %dma_wait3A_693 = arith.constant 0 : i32
    %dma_wait3A_694 = arith.constant 2 : i32
    %dma_wait3A_695 = arith.constant 0 : i32
    %dma_wait3A_696 = arith.constant 0 : i32
    %dma_wait3A_697 = arith.constant 0 : i32
    %dma_wait3A_698 = tpu.memref_slice %arg4[%dma_wait3A_693, %dma_wait3A_696, %dma_wait3A_697] : memref<2x64x768xf32, #tpu.memory_space<vmem>> -> memref<1x64x768xf32, #tpu.memory_space<vmem>>
    %dma_wait3A_699 = tpu.memref_squeeze %dma_wait3A_698 : memref<1x64x768xf32, #tpu.memory_space<vmem>> -> memref<64x768xf32, #tpu.memory_space<vmem>>
    %dma_wait3A_700 = arith.constant 0 : i32
    %dma_wait3A_701 = tpu.memref_slice %arg3[%dma_wait3A_694, %add3A_692, %dma_wait3A_700] : memref<4x8192x768xf32, #tpu.memory_space<hbm>> -> memref<1x64x768xf32, #tpu.memory_space<hbm>>
    %dma_wait3A_702 = tpu.memref_squeeze %dma_wait3A_701 : memref<1x64x768xf32, #tpu.memory_space<hbm>> -> memref<64x768xf32, #tpu.memory_space<hbm>>
    %dma_wait3A_703 = tpu.memref_slice %arg6[%dma_wait3A_695] : memref<2x!tpu.dma_semaphore, #tpu.memory_space<semaphore_mem>> -> memref<1x!tpu.dma_semaphore, #tpu.memory_space<semaphore_mem>>
    %dma_wait3A_704 = tpu.memref_squeeze %dma_wait3A_703 : memref<1x!tpu.dma_semaphore, #tpu.memory_space<semaphore_mem>> -> memref<!tpu.dma_semaphore, #tpu.memory_space<semaphore_mem>>
    %dma_wait3A_705 = arith.constant 0 : i32
    %dma_wait3A_706 = tpu.memref_slice %arg3[%dma_wait3A_694, %add3A_692, %dma_wait3A_705] : memref<4x8192x768xf32, #tpu.memory_space<hbm>> -> memref<1x64x768xf32, #tpu.memory_space<hbm>>
    %dma_wait3A_707 = tpu.memref_squeeze %dma_wait3A_706 : memref<1x64x768xf32, #tpu.memory_space<hbm>> -> memref<64x768xf32, #tpu.memory_space<hbm>>
    %dma_wait3A_708 = arith.constant 0 : i32
    %dma_wait3A_709 = arith.constant 0 : i32
    %dma_wait3A_710 = tpu.memref_slice %arg4[%dma_wait3A_693, %dma_wait3A_708, %dma_wait3A_709] : memref<2x64x768xf32, #tpu.memory_space<vmem>> -> memref<1x64x768xf32, #tpu.memory_space<vmem>>
    %dma_wait3A_711 = tpu.memref_squeeze %dma_wait3A_710 : memref<1x64x768xf32, #tpu.memory_space<vmem>> -> memref<64x768xf32, #tpu.memory_space<vmem>>
    tpu.wait_dma2 semaphore(%dma_wait3A_704 : memref<!tpu.dma_semaphore, #tpu.memory_space<semaphore_mem>>) src(%dma_wait3A_711 : memref<64x768xf32, #tpu.memory_space<vmem>>) dst(%dma_wait3A_707 : memref<64x768xf32, #tpu.memory_space<hbm>>)
    %add3A_712 = arith.constant 128 : i32
    %add3A_713 = arith.addi %mul3A_2, %add3A_712 : i32
    %dma_wait3A_714 = arith.constant 0 : i32
    %dma_wait3A_715 = arith.constant 3 : i32
    %dma_wait3A_716 = arith.constant 0 : i32
    %dma_wait3A_717 = arith.constant 0 : i32
    %dma_wait3A_718 = arith.constant 0 : i32
    %dma_wait3A_719 = tpu.memref_slice %arg4[%dma_wait3A_714, %dma_wait3A_717, %dma_wait3A_718] : memref<2x64x768xf32, #tpu.memory_space<vmem>> -> memref<1x64x768xf32, #tpu.memory_space<vmem>>
    %dma_wait3A_720 = tpu.memref_squeeze %dma_wait3A_719 : memref<1x64x768xf32, #tpu.memory_space<vmem>> -> memref<64x768xf32, #tpu.memory_space<vmem>>
    %dma_wait3A_721 = arith.constant 0 : i32
    %dma_wait3A_722 = tpu.memref_slice %arg3[%dma_wait3A_715, %add3A_713, %dma_wait3A_721] : memref<4x8192x768xf32, #tpu.memory_space<hbm>> -> memref<1x64x768xf32, #tpu.memory_space<hbm>>
    %dma_wait3A_723 = tpu.memref_squeeze %dma_wait3A_722 : memref<1x64x768xf32, #tpu.memory_space<hbm>> -> memref<64x768xf32, #tpu.memory_space<hbm>>
    %dma_wait3A_724 = tpu.memref_slice %arg6[%dma_wait3A_716] : memref<2x!tpu.dma_semaphore, #tpu.memory_space<semaphore_mem>> -> memref<1x!tpu.dma_semaphore, #tpu.memory_space<semaphore_mem>>
    %dma_wait3A_725 = tpu.memref_squeeze %dma_wait3A_724 : memref<1x!tpu.dma_semaphore, #tpu.memory_space<semaphore_mem>> -> memref<!tpu.dma_semaphore, #tpu.memory_space<semaphore_mem>>
    %dma_wait3A_726 = arith.constant 0 : i32
    %dma_wait3A_727 = tpu.memref_slice %arg3[%dma_wait3A_715, %add3A_713, %dma_wait3A_726] : memref<4x8192x768xf32, #tpu.memory_space<hbm>> -> memref<1x64x768xf32, #tpu.memory_space<hbm>>
    %dma_wait3A_728 = tpu.memref_squeeze %dma_wait3A_727 : memref<1x64x768xf32, #tpu.memory_space<hbm>> -> memref<64x768xf32, #tpu.memory_space<hbm>>
    %dma_wait3A_729 = arith.constant 0 : i32
    %dma_wait3A_730 = arith.constant 0 : i32
    %dma_wait3A_731 = tpu.memref_slice %arg4[%dma_wait3A_714, %dma_wait3A_729, %dma_wait3A_730] : memref<2x64x768xf32, #tpu.memory_space<vmem>> -> memref<1x64x768xf32, #tpu.memory_space<vmem>>
    %dma_wait3A_732 = tpu.memref_squeeze %dma_wait3A_731 : memref<1x64x768xf32, #tpu.memory_space<vmem>> -> memref<64x768xf32, #tpu.memory_space<vmem>>
    tpu.wait_dma2 semaphore(%dma_wait3A_725 : memref<!tpu.dma_semaphore, #tpu.memory_space<semaphore_mem>>) src(%dma_wait3A_732 : memref<64x768xf32, #tpu.memory_space<vmem>>) dst(%dma_wait3A_728 : memref<64x768xf32, #tpu.memory_space<hbm>>)
    %add3A_733 = arith.constant 192 : i32
    %add3A_734 = arith.addi %mul3A_2, %add3A_733 : i32
    %dma_wait3A_735 = arith.constant 1 : i32
    %dma_wait3A_736 = arith.constant 0 : i32
    %dma_wait3A_737 = arith.constant 1 : i32
    %dma_wait3A_738 = arith.constant 0 : i32
    %dma_wait3A_739 = arith.constant 0 : i32
    %dma_wait3A_740 = tpu.memref_slice %arg4[%dma_wait3A_735, %dma_wait3A_738, %dma_wait3A_739] : memref<2x64x768xf32, #tpu.memory_space<vmem>> -> memref<1x64x768xf32, #tpu.memory_space<vmem>>
    %dma_wait3A_741 = tpu.memref_squeeze %dma_wait3A_740 : memref<1x64x768xf32, #tpu.memory_space<vmem>> -> memref<64x768xf32, #tpu.memory_space<vmem>>
    %dma_wait3A_742 = arith.constant 0 : i32
    %dma_wait3A_743 = tpu.memref_slice %arg3[%dma_wait3A_736, %add3A_734, %dma_wait3A_742] : memref<4x8192x768xf32, #tpu.memory_space<hbm>> -> memref<1x64x768xf32, #tpu.memory_space<hbm>>
    %dma_wait3A_744 = tpu.memref_squeeze %dma_wait3A_743 : memref<1x64x768xf32, #tpu.memory_space<hbm>> -> memref<64x768xf32, #tpu.memory_space<hbm>>
    %dma_wait3A_745 = tpu.memref_slice %arg6[%dma_wait3A_737] : memref<2x!tpu.dma_semaphore, #tpu.memory_space<semaphore_mem>> -> memref<1x!tpu.dma_semaphore, #tpu.memory_space<semaphore_mem>>
    %dma_wait3A_746 = tpu.memref_squeeze %dma_wait3A_745 : memref<1x!tpu.dma_semaphore, #tpu.memory_space<semaphore_mem>> -> memref<!tpu.dma_semaphore, #tpu.memory_space<semaphore_mem>>
    %dma_wait3A_747 = arith.constant 0 : i32
    %dma_wait3A_748 = tpu.memref_slice %arg3[%dma_wait3A_736, %add3A_734, %dma_wait3A_747] : memref<4x8192x768xf32, #tpu.memory_space<hbm>> -> memref<1x64x768xf32, #tpu.memory_space<hbm>>
    %dma_wait3A_749 = tpu.memref_squeeze %dma_wait3A_748 : memref<1x64x768xf32, #tpu.memory_space<hbm>> -> memref<64x768xf32, #tpu.memory_space<hbm>>
    %dma_wait3A_750 = arith.constant 0 : i32
    %dma_wait3A_751 = arith.constant 0 : i32
    %dma_wait3A_752 = tpu.memref_slice %arg4[%dma_wait3A_735, %dma_wait3A_750, %dma_wait3A_751] : memref<2x64x768xf32, #tpu.memory_space<vmem>> -> memref<1x64x768xf32, #tpu.memory_space<vmem>>
    %dma_wait3A_753 = tpu.memref_squeeze %dma_wait3A_752 : memref<1x64x768xf32, #tpu.memory_space<vmem>> -> memref<64x768xf32, #tpu.memory_space<vmem>>
    tpu.wait_dma2 semaphore(%dma_wait3A_746 : memref<!tpu.dma_semaphore, #tpu.memory_space<semaphore_mem>>) src(%dma_wait3A_753 : memref<64x768xf32, #tpu.memory_space<vmem>>) dst(%dma_wait3A_749 : memref<64x768xf32, #tpu.memory_space<hbm>>)
    %add3A_754 = arith.constant 192 : i32
    %add3A_755 = arith.addi %mul3A_2, %add3A_754 : i32
    %dma_wait3A_756 = arith.constant 1 : i32
    %dma_wait3A_757 = arith.constant 1 : i32
    %dma_wait3A_758 = arith.constant 1 : i32
    %dma_wait3A_759 = arith.constant 0 : i32
    %dma_wait3A_760 = arith.constant 0 : i32
    %dma_wait3A_761 = tpu.memref_slice %arg4[%dma_wait3A_756, %dma_wait3A_759, %dma_wait3A_760] : memref<2x64x768xf32, #tpu.memory_space<vmem>> -> memref<1x64x768xf32, #tpu.memory_space<vmem>>
    %dma_wait3A_762 = tpu.memref_squeeze %dma_wait3A_761 : memref<1x64x768xf32, #tpu.memory_space<vmem>> -> memref<64x768xf32, #tpu.memory_space<vmem>>
    %dma_wait3A_763 = arith.constant 0 : i32
    %dma_wait3A_764 = tpu.memref_slice %arg3[%dma_wait3A_757, %add3A_755, %dma_wait3A_763] : memref<4x8192x768xf32, #tpu.memory_space<hbm>> -> memref<1x64x768xf32, #tpu.memory_space<hbm>>
    %dma_wait3A_765 = tpu.memref_squeeze %dma_wait3A_764 : memref<1x64x768xf32, #tpu.memory_space<hbm>> -> memref<64x768xf32, #tpu.memory_space<hbm>>
    %dma_wait3A_766 = tpu.memref_slice %arg6[%dma_wait3A_758] : memref<2x!tpu.dma_semaphore, #tpu.memory_space<semaphore_mem>> -> memref<1x!tpu.dma_semaphore, #tpu.memory_space<semaphore_mem>>
    %dma_wait3A_767 = tpu.memref_squeeze %dma_wait3A_766 : memref<1x!tpu.dma_semaphore, #tpu.memory_space<semaphore_mem>> -> memref<!tpu.dma_semaphore, #tpu.memory_space<semaphore_mem>>
    %dma_wait3A_768 = arith.constant 0 : i32
    %dma_wait3A_769 = tpu.memref_slice %arg3[%dma_wait3A_757, %add3A_755, %dma_wait3A_768] : memref<4x8192x768xf32, #tpu.memory_space<hbm>> -> memref<1x64x768xf32, #tpu.memory_space<hbm>>
    %dma_wait3A_770 = tpu.memref_squeeze %dma_wait3A_769 : memref<1x64x768xf32, #tpu.memory_space<hbm>> -> memref<64x768xf32, #tpu.memory_space<hbm>>
    %dma_wait3A_771 = arith.constant 0 : i32
    %dma_wait3A_772 = arith.constant 0 : i32
    %dma_wait3A_773 = tpu.memref_slice %arg4[%dma_wait3A_756, %dma_wait3A_771, %dma_wait3A_772] : memref<2x64x768xf32, #tpu.memory_space<vmem>> -> memref<1x64x768xf32, #tpu.memory_space<vmem>>
    %dma_wait3A_774 = tpu.memref_squeeze %dma_wait3A_773 : memref<1x64x768xf32, #tpu.memory_space<vmem>> -> memref<64x768xf32, #tpu.memory_space<vmem>>
    tpu.wait_dma2 semaphore(%dma_wait3A_767 : memref<!tpu.dma_semaphore, #tpu.memory_space<semaphore_mem>>) src(%dma_wait3A_774 : memref<64x768xf32, #tpu.memory_space<vmem>>) dst(%dma_wait3A_770 : memref<64x768xf32, #tpu.memory_space<hbm>>)
    %add3A_775 = arith.constant 192 : i32
    %add3A_776 = arith.addi %mul3A_2, %add3A_775 : i32
    %dma_wait3A_777 = arith.constant 1 : i32
    %dma_wait3A_778 = arith.constant 2 : i32
    %dma_wait3A_779 = arith.constant 1 : i32
    %dma_wait3A_780 = arith.constant 0 : i32
    %dma_wait3A_781 = arith.constant 0 : i32
    %dma_wait3A_782 = tpu.memref_slice %arg4[%dma_wait3A_777, %dma_wait3A_780, %dma_wait3A_781] : memref<2x64x768xf32, #tpu.memory_space<vmem>> -> memref<1x64x768xf32, #tpu.memory_space<vmem>>
    %dma_wait3A_783 = tpu.memref_squeeze %dma_wait3A_782 : memref<1x64x768xf32, #tpu.memory_space<vmem>> -> memref<64x768xf32, #tpu.memory_space<vmem>>
    %dma_wait3A_784 = arith.constant 0 : i32
    %dma_wait3A_785 = tpu.memref_slice %arg3[%dma_wait3A_778, %add3A_776, %dma_wait3A_784] : memref<4x8192x768xf32, #tpu.memory_space<hbm>> -> memref<1x64x768xf32, #tpu.memory_space<hbm>>
    %dma_wait3A_786 = tpu.memref_squeeze %dma_wait3A_785 : memref<1x64x768xf32, #tpu.memory_space<hbm>> -> memref<64x768xf32, #tpu.memory_space<hbm>>
    %dma_wait3A_787 = tpu.memref_slice %arg6[%dma_wait3A_779] : memref<2x!tpu.dma_semaphore, #tpu.memory_space<semaphore_mem>> -> memref<1x!tpu.dma_semaphore, #tpu.memory_space<semaphore_mem>>
    %dma_wait3A_788 = tpu.memref_squeeze %dma_wait3A_787 : memref<1x!tpu.dma_semaphore, #tpu.memory_space<semaphore_mem>> -> memref<!tpu.dma_semaphore, #tpu.memory_space<semaphore_mem>>
    %dma_wait3A_789 = arith.constant 0 : i32
    %dma_wait3A_790 = tpu.memref_slice %arg3[%dma_wait3A_778, %add3A_776, %dma_wait3A_789] : memref<4x8192x768xf32, #tpu.memory_space<hbm>> -> memref<1x64x768xf32, #tpu.memory_space<hbm>>
    %dma_wait3A_791 = tpu.memref_squeeze %dma_wait3A_790 : memref<1x64x768xf32, #tpu.memory_space<hbm>> -> memref<64x768xf32, #tpu.memory_space<hbm>>
    %dma_wait3A_792 = arith.constant 0 : i32
    %dma_wait3A_793 = arith.constant 0 : i32
    %dma_wait3A_794 = tpu.memref_slice %arg4[%dma_wait3A_777, %dma_wait3A_792, %dma_wait3A_793] : memref<2x64x768xf32, #tpu.memory_space<vmem>> -> memref<1x64x768xf32, #tpu.memory_space<vmem>>
    %dma_wait3A_795 = tpu.memref_squeeze %dma_wait3A_794 : memref<1x64x768xf32, #tpu.memory_space<vmem>> -> memref<64x768xf32, #tpu.memory_space<vmem>>
    tpu.wait_dma2 semaphore(%dma_wait3A_788 : memref<!tpu.dma_semaphore, #tpu.memory_space<semaphore_mem>>) src(%dma_wait3A_795 : memref<64x768xf32, #tpu.memory_space<vmem>>) dst(%dma_wait3A_791 : memref<64x768xf32, #tpu.memory_space<hbm>>)
    %add3A_796 = arith.constant 192 : i32
    %add3A_797 = arith.addi %mul3A_2, %add3A_796 : i32
    %dma_wait3A_798 = arith.constant 1 : i32
    %dma_wait3A_799 = arith.constant 3 : i32
    %dma_wait3A_800 = arith.constant 1 : i32
    %dma_wait3A_801 = arith.constant 0 : i32
    %dma_wait3A_802 = arith.constant 0 : i32
    %dma_wait3A_803 = tpu.memref_slice %arg4[%dma_wait3A_798, %dma_wait3A_801, %dma_wait3A_802] : memref<2x64x768xf32, #tpu.memory_space<vmem>> -> memref<1x64x768xf32, #tpu.memory_space<vmem>>
    %dma_wait3A_804 = tpu.memref_squeeze %dma_wait3A_803 : memref<1x64x768xf32, #tpu.memory_space<vmem>> -> memref<64x768xf32, #tpu.memory_space<vmem>>
    %dma_wait3A_805 = arith.constant 0 : i32
    %dma_wait3A_806 = tpu.memref_slice %arg3[%dma_wait3A_799, %add3A_797, %dma_wait3A_805] : memref<4x8192x768xf32, #tpu.memory_space<hbm>> -> memref<1x64x768xf32, #tpu.memory_space<hbm>>
    %dma_wait3A_807 = tpu.memref_squeeze %dma_wait3A_806 : memref<1x64x768xf32, #tpu.memory_space<hbm>> -> memref<64x768xf32, #tpu.memory_space<hbm>>
    %dma_wait3A_808 = tpu.memref_slice %arg6[%dma_wait3A_800] : memref<2x!tpu.dma_semaphore, #tpu.memory_space<semaphore_mem>> -> memref<1x!tpu.dma_semaphore, #tpu.memory_space<semaphore_mem>>
    %dma_wait3A_809 = tpu.memref_squeeze %dma_wait3A_808 : memref<1x!tpu.dma_semaphore, #tpu.memory_space<semaphore_mem>> -> memref<!tpu.dma_semaphore, #tpu.memory_space<semaphore_mem>>
    %dma_wait3A_810 = arith.constant 0 : i32
    %dma_wait3A_811 = tpu.memref_slice %arg3[%dma_wait3A_799, %add3A_797, %dma_wait3A_810] : memref<4x8192x768xf32, #tpu.memory_space<hbm>> -> memref<1x64x768xf32, #tpu.memory_space<hbm>>
    %dma_wait3A_812 = tpu.memref_squeeze %dma_wait3A_811 : memref<1x64x768xf32, #tpu.memory_space<hbm>> -> memref<64x768xf32, #tpu.memory_space<hbm>>
    %dma_wait3A_813 = arith.constant 0 : i32
    %dma_wait3A_814 = arith.constant 0 : i32
    %dma_wait3A_815 = tpu.memref_slice %arg4[%dma_wait3A_798, %dma_wait3A_813, %dma_wait3A_814] : memref<2x64x768xf32, #tpu.memory_space<vmem>> -> memref<1x64x768xf32, #tpu.memory_space<vmem>>
    %dma_wait3A_816 = tpu.memref_squeeze %dma_wait3A_815 : memref<1x64x768xf32, #tpu.memory_space<vmem>> -> memref<64x768xf32, #tpu.memory_space<vmem>>
    tpu.wait_dma2 semaphore(%dma_wait3A_809 : memref<!tpu.dma_semaphore, #tpu.memory_space<semaphore_mem>>) src(%dma_wait3A_816 : memref<64x768xf32, #tpu.memory_space<vmem>>) dst(%dma_wait3A_812 : memref<64x768xf32, #tpu.memory_space<hbm>>)
    return
  }
}

</mosaic_0001>

<sc_bundles>
// kernel: kernel.3.cloned.1.call-start
scs
__scs_entry_jumppad:
0x0: {  	(pc) =	sbr.rel $0x88, $3  }
0x1: {  	(tag) =	ssettag $0x0;
	lr =	simm.s32 $0x1  }
0x2: {  	[smem:$0x3FA0] =	sst lr;
	_ =	strace $0xD0000000  }
0x3: {  	_ = 	snop  }
0x4: {  	_ = 	snop  }
0x5: {  	_ = 	snop  }
0x6: {  	_ = 	snop  }
0x7: {  	_ = 	snop  }
__scs_overlays_trampoline_lowered:
0x8: {  	[smem:$0x3FAF] =	sst s0  }
0x9: {  	[smem:$0x3FB0] =	sst s1  }
0xa: {  	[smem:$0x3FB1] =	sst s2  }
0xb: {  	[smem:$0x3FB2] =	sst s3  }
0xc: {  	[smem:$0x3FB3] =	sst s4  }
0xd: {  	[smem:$0x3FB4] =	sst s5  }
0xe: {  	[smem:$0x3FB5] =	sst s6  }
0xf: {  	[smem:$0x3FB6] =	sst s7  }
0x10: {  	[smem:$0x3FB7] =	sst s8  }
0x11: {  	[smem:$0x3FB8] =	sst s9;
	s0 =	simm.s32 @!p0 $0x0  }
0x12: {  	s1 =	sld [smem:$0x3F9E];
	s0 =	simm.s32 @p0 $0x1  }
0x13: {  	[smem:$0x3FB9] =	sst s0;
	s0 =	simm.s32 @!p1 $0x0  }
0x14: {  	s2 =	sld [smem:$0x3F9D];
	s0 =	simm.s32 @p1 $0x1  }
0x15: {  	[smem:$0x3FBA] =	sst s0;
	s0 =	simm.s32 @!p2 $0x0  }
0x16: {  	s3 =	sld [smem:$0x3FDB];
	s0 =	simm.s32 @p2 $0x1  }
0x17: {  	s4 =	simm.s32 $0x1BF5;
	[smem:$0x3FBC] =	sst s0  }
0x18: {  	s0 =	sld [smem:$0x3F9F];
	_ =	swait.ge [sflag:s4], $0x0  }
0x19: {  	s7 =	sld [smem:$0x3FA0]  }
0x1a: {  	s8 =	sadd.s32 $0xFFFFE003, lr  }
0x1b: {  	s9 =	sadd.s32 $0xFFFFFEF7, lr;
	s5 =	simm.s32 $0xFFFFFFFF;
	p2 =	slt.u32 s8, $0xFFFFF086  }
0x1c: {  	p1 =	slt.u32 s9, $0xF7A;
	s5 =	simm.s32 @!p2 $0x0  }
0x1d: {  	s5 =	simm.s32 @p1 $0x1;
	p0 =	seq.s32 s7, s2  }
0x1e: {  	s7 =	smul.u32 @!p0 $0xF7A, s2;
	p2 =	seq.s32 @!p0 s5, $0x0  }
0x1f: {  	s9 =	smul.u32 $0xF7A, s1;
	s8 =	simm.s32 @!p0 $0x1BF5;
	p2 =	por !p2, p0  }
0x20: {  	[sflag:s8] =	ssyncset.s32 @!p0 $0xFFFFF086;
	s6 =	sadd.s32 @!p0 s3, s7;
	s7 =	simm.s32 @!p0 $0x108  }
0x21: {  	s3 =	sadd.s32 s3, s9;
	s6 =	sadd.s32 @!p0 $0x88, s6;
	s7 =	simm.s32 @p2 $0x1082  }
0x22: {  	[simem:s7], [sflag:s8] =	dma.local @!p0 [hbm:s6], $0xF7A  }
0x23: {  	s9 =	sor.u32 $0xD0000000, s2;
	s6 =	simm.s32 $0x108;
	_ =	swait.ge @!p0 [sflag:s8], $0x0  }
0x24: {  	s3 =	sadd.s32 $0x88, s3;
	s6 =	simm.s32 @!p1 $0x1082;
	[sflag:s4] =	ssyncset.s32 $0xFFFFF086  }
0x25: {  	[simem:s6], [sflag:s4] =	dma.local [hbm:s3], $0xF7A  }
0x26: {  	[smem:$0x3FA0] =	sst s1;
	(tag) =	ssettag s2;
	_ =	strace s9  }
0x27: {  	s1 =	sld [smem:$0x3FB0]  }
0x28: {  	s2 =	sld [smem:$0x3FB1]  }
0x29: {  	s4 =	sld [smem:$0x3FB3]  }
0x2a: {  	p0 =	seq.s32 s5, $0x0;
	s5 =	sld [smem:$0x3FB4]  }
0x2b: {  	s6 =	sld [smem:$0x3FB5]  }
0x2c: {  	s7 =	sld [smem:$0x3FB6]  }
0x2d: {  	s3 =	simm.s32 $0x108;
	s8 =	sld [smem:$0x3FB7]  }
0x2e: {  	s3 =	simm.s32 @!p0 $0x1082;
	s9 =	sld [smem:$0x3FB8]  }
0x2f: {  	lr =	sadd.s32 s0, s3;
	s0 =	sld [smem:$0x3FAF]  }
0x30: {  	s3 =	sld [smem:$0x3FB2]  }
0x31: {  	[smem:$0x3FBB] =	sst s10  }
0x32: {  	s10 =	sld [smem:$0x3FB9];
	_ =	sdelay $0x3  }
0x33: {  	p0 =	seq.s32 s10, $0x1;
	s10 =	sld [smem:$0x3FBB];
	_ =	sdelay $0x3  }
0x34: {  	[smem:$0x3FBB] =	sst s10  }
0x35: {  	s10 =	sld [smem:$0x3FBA];
	_ =	sdelay $0x3  }
0x36: {  	p1 =	seq.s32 s10, $0x1;
	s10 =	sld [smem:$0x3FBB];
	_ =	sdelay $0x3  }
0x37: {  	[smem:$0x3FBB] =	sst s10  }
0x38: {  	s10 =	sld [smem:$0x3FBC]  }
0x39: {  	_ = 	snop;
	(pc) =	sbr.ind lr, $3  }
0x3a: {  	_ = 	snop  }
0x3b: {  	_ = 	snop  }
0x3c: {  	p2 =	seq.s32 s10, $0x1;
	s10 =	sld [smem:$0x3FBB]  }
0x3d: {  	_ =	shalt  }
0x3e: {  	_ =	shalt  }
0x3f: {  	_ =	shalt  }
0x40: {  	_ =	shalt  }
0x41: {  	_ =	shalt  }
0x42: {  	_ =	shalt  }
0x43: {  	_ =	shalt  }
0x44: {  	_ =	shalt  }
0x45: {  	_ =	shalt  }
0x46: {  	_ =	shalt  }
0x47: {  	_ =	shalt  }
0x48: {  	_ =	shalt  }
0x49: {  	_ =	shalt  }
0x4a: {  	_ =	shalt  }
0x4b: {  	_ =	shalt  }
0x4c: {  	_ =	shalt  }
0x4d: {  	_ =	shalt  }
0x4e: {  	_ =	shalt  }
0x4f: {  	_ =	shalt  }
0x50: {  	_ =	shalt  }
0x51: {  	_ =	shalt  }
0x52: {  	_ =	shalt  }
0x53: {  	_ =	shalt  }
0x54: {  	_ =	shalt  }
0x55: {  	_ =	shalt  }
0x56: {  	_ =	shalt  }
0x57: {  	_ =	shalt  }
0x58: {  	_ =	shalt  }
0x59: {  	_ =	shalt  }
0x5a: {  	_ =	shalt  }
0x5b: {  	_ =	shalt  }
0x5c: {  	_ =	shalt  }
0x5d: {  	_ =	shalt  }
0x5e: {  	_ =	shalt  }
0x5f: {  	_ =	shalt  }
0x60: {  	_ =	shalt  }
0x61: {  	_ =	shalt  }
0x62: {  	_ =	shalt  }
0x63: {  	_ =	shalt  }
0x64: {  	_ =	shalt  }
0x65: {  	_ =	shalt  }
0x66: {  	_ =	shalt  }
0x67: {  	_ =	shalt  }
0x68: {  	_ =	shalt  }
0x69: {  	_ =	shalt  }
0x6a: {  	_ =	shalt  }
0x6b: {  	_ =	shalt  }
0x6c: {  	_ =	shalt  }
0x6d: {  	_ =	shalt  }
0x6e: {  	_ =	shalt  }
0x6f: {  	_ =	shalt  }
0x70: {  	_ =	shalt  }
0x71: {  	_ =	shalt  }
0x72: {  	_ =	shalt  }
0x73: {  	_ =	shalt  }
0x74: {  	_ =	shalt  }
0x75: {  	_ =	shalt  }
0x76: {  	_ =	shalt  }
0x77: {  	_ =	shalt  }
0x78: {  	_ =	shalt  }
0x79: {  	_ =	shalt  }
0x7a: {  	_ =	shalt  }
0x7b: {  	_ =	shalt  }
0x7c: {  	_ =	shalt  }
0x7d: {  	_ =	shalt  }
0x7e: {  	_ =	shalt  }
0x7f: {  	_ =	shalt  }
0x80: {  	_ =	shalt  }
0x81: {  	_ =	shalt  }
0x82: {  	_ =	shalt  }
0x83: {  	_ =	shalt  }
0x84: {  	_ =	shalt  }
0x85: {  	_ =	shalt  }
0x86: {  	_ =	shalt  }
0x87: {  	_ =	shalt  }
.Lfunc_end0:
.L_simem_size_0:
called_computation_lowered:
.L_overlay_start_0:
0x88: {  	s2 =	sld [smem:$0x3FD9]  }
0x89: {  	s3 =	sld [smem:$0x3FFE];
	_ =	sdelay $0x1  }
0x8a: {  	s1 =	srdreg.scid  }
0x8b: {  	s0 =	sand.u32 $0x1, s1  }
0x8c: {  	s18 =	sshll.u32 s0, $0xA;
	s2 =	sadd.s32 s3, s2  }
0x8d: {  	s2 =	sadd.s32 s2, s18  }
0x8e: {  	[smem:$0x3FC7] =	sst s2  }
0x8f: {  	_ = 	snop  }
0x90: {  	s2 =	sld [smem:$0x3FC9]  }
0x91: {  	s19 =	sld [smem:$0x3FD0];
	(tm) =	ssettm $0x1  }
0x92: {  	s4 =	sld [smem:$0x3FFB];
	_ =	sdelay $0x3  }
0x93: {  	_ =	strace s4  }
0x94: {  	s4 =	sld [smem:$0x3FFC];
	_ =	sdelay $0x3  }
0x95: {  	_ =	strace s4  }
0x96: {  	s4 =	sld [smem:$0x3FFD];
	_ =	sdelay $0x3  }
0x97: {  	_ =	strace s4  }
0x98: {  	_ =	strace $0x8FFFFFFF  }
0x99: {  	s20 =	sld [smem:$0x3FDB];
	_ =	sdelay $0x1  }
0x9a: {  	s5 =	simm.s32 $_scs_section_size  }
0x9b: {  	s6 =	simm.s32 $_size__tile_overlayer_lowered;
	s7 =	simm.s32 $_tile_overlayer_lowered  }
0x9c: {  	s23 =	simm.s32 $0x1BFF;
	s22 =	sshll.u32 s7, $0x1;
	s4 =	sadd.s32 s5, s20  }
0x9d: {  	s8 =	simm.s32 $0x0;
	s21 =	sshll.u32 s6, $0x1;
	s6 =	sadd.s32 s22, s4  }
0x9e: {  	[timem:s8], [sflag:s23] =	dma.local [hbm:s6], s21  }
0x9f: {  	_ =	swait.ge [sflag:s23], s21  }
0xa0: {  	s5 =	ssub.s32 $0x0, s21;
	[sflag:s23] =	ssyncset.done $0x0  }
0xa1: {  	[sflag:s23] =	ssyncadd.s32 s5;
	_ =	sdelay $0x1  }
0xa2: {  	s24 =	simm.s32 $0x1B8B  }
0xa3: {  	_ =	swait.ge [sflag:s24], $0x1  }
0xa4: {  	[sflag:s24] =	ssyncset.done $0x0  }
0xa5: {  	s25 =	simm.s32 $0x1B8E;
	[sflag:s24] =	ssyncadd.s32 $0xFFFFFFFF  }
0xa6: {  	s26 =	simm.s32 $execute0_lowered;
	[smem:$0x3FD2] =	sst s25  }
0xa7: {  	s5 =	sshll.u32 s26, $0x1;
	_ =	strace $0x80000046;
	[dreg:$0x1] =	wrdreg $0xFFFFFFFF  }
0xa8: {  	s28 =	simm.s32 $_size_execute0_lowered;
	s4 =	sadd.s32 s4, s5;
	[dreg:$0x0] =	wrdreg $0x0  }
0xa9: {  	s5 =	sshll.u32 s28, $0x1;
	[dreg:$0x2] =	wrdreg s4  }
0xaa: {  	[dreg:$0x3] =	wrdreg s5  }
0xab: {  	[dreg:$0x4] =	wrdreg $0xC0  }
0xac: {  	_ =	task [dreg:s8], $0x5FFFF  }
0xad: {  	[dreg:$0x1] =	wrdreg $0xFFFFFFFF  }
0xae: {  	[dreg:$0x0] =	wrdreg $0x60  }
0xaf: {  	[dreg:$0x2] =	wrdreg s2  }
0xb0: {  	[dreg:$0x3] =	wrdreg s19  }
0xb1: {  	[dreg:$0x4] =	wrdreg $0x9  }
0xb2: {  	_ =	task.clear_ibuf [dreg:s8], $0x5FFFF;
	_ =	strace $0x90000046  }
0xb3: {  	s29 =	simm.s32 $0x9;
	_ =	strace $0x80000048  }
0xb4: {  	_ =	swait.ge [sflag:s29], $0x1  }
0xb5: {  	[sflag:s29] =	ssyncadd.s32 $0xFFFFFFFF  }
0xb6: {  	_ =	strace $0x90000048  }
0xb7: {  	_ =	sfence  }
0xb8: {  	s30 =	sld [smem:$0x0];
	_ =	sdelay $0x2  }
0xb9: {  	s31 =	sshll.u32 s1, $0xD;
	s1 =	sshrl.u32 s1, $0x2  }
0xba: {  	s3 =	sand.u32 $0x4000, s31;
	s1 =	sadd.s32 s1, s30  }
0xbb: {  	s0 =	sor.u32 s3, s0;
	s1 =	sshll.u32 s1, $0x11  }
0xbc: {  	s0 =	sor.u32 s1, s0  }
0xbd: {  	s0 =	sadd.s32 $0x8F2B, s0  }
0xbe: {  	[sflag:s0] =	ssyncadd.remote.s32 $0x1  }
0xbf: {  	_ =	sfence.sel $0xFFFF  }
0xc0: {  	[dreg:$0x0] =	wrdreg $0xFFFFFFFF;
	(pc) =	sbr.abs _section_cstart, $3  }
0xc1: {  	[dreg:$0x1] =	wrdreg $0xFFFFFFFF  }
0xc2: {  	_ =	task.clear_ibuf [dreg:s8], $0x2FFFF;
	_ =	strace $0x9FFFFFFF  }
0xc3: {  	(tm) =	ssettm $0x7FFFFFFF  }
tec
execute0_lowered:
.L_overlay_start_1:
0x0: {  	(tag) =	ssettag $0x1  }
0x1: {  	s1 =	srdreg.scid  }
0x2: {  	s0 =	stileid.u32;
	s29 =	sand.u32 $0x1, s1  }
0x3: {  	s31 =	sshll.u32 s0, $0x6;
	s2 =	sshll.u32 s29, $0x5  }
0x4: {  	s19 =	rddreg [dreg:$0x0];
	s1 =	sor.u32 s2, s31  }
0x5: {  	s24 =	rddreg [dreg:$0x1];
	s3 =	smul.u32 $0x1800, s1  }
0x6: {  	s2 =	simm.s32 $0x0;
	s1 =	rddreg [dreg:$0x2]  }
0x7: {  	[smem:$0x7FF] =	sst s2;
	s20 =	sshrl.u32 s3, $0x3  }
0x8: {  	_ =	strace $0x80000047;
	s3 =	sadd.s32 s19, s20;
	s14 =	sor.u32 $0x1800, s20  }
0x9: {  	[tilespmem:s2], [sflag:$0x1] =	stream.linear.gather [hbm4b:s3+s2], $0xC000, $0x38;
	[tilespmem:$0x18000] =	vst v63  }
0xa: {  	s5 =	simm.s32 $0xC000;
	s6 =	simm.s32 $0x1;
	s4 =	sadd.s32 s19, s14  }
0xb: {  	[tilespmem:s5], [sflag:$0x2] =	stream.linear.gather [hbm4b:s4+s2], $0xC000, $0x38;
	[tilespmem:$0x18000] =	vst v63  }
0xc: {  	_ =	swait.ge [sflag:s6], $0xC000  }
0xd: {  	[sflag:s6] =	ssyncset.done $0x0  }
0xe: {  	s7 =	sadd.s32 s24, s20;
	[sflag:s6] =	ssyncadd.s32 $0xFFFF4000  }
0xf: {  	[hbm4b:s7+s2] =	stream.linear.scatter [tilespmem:s2], [sflag:$0x3], $0xC000, $0x38;
	[tilespmem:$0x18000] =	vst v63  }
0x10: {  	s8 =	sadd.s32 $0xC0000, s7  }
0x11: {  	[hbm4b:s8+s2] =	stream.linear.scatter [tilespmem:s2], [sflag:$0x3], $0xC000, $0x38;
	[tilespmem:$0x18000] =	vst v63  }
0x12: {  	s9 =	sadd.s32 $0x180000, s7  }
0x13: {  	[hbm4b:s9+s2] =	stream.linear.scatter [tilespmem:s2], [sflag:$0x3], $0xC000, $0x38;
	[tilespmem:$0x18000] =	vst v63  }
0x14: {  	s11 =	simm.s32 $0x3;
	s10 =	sadd.s32 $0x240000, s7  }
0x15: {  	[hbm4b:s10+s2] =	stream.linear.scatter [tilespmem:s2], [sflag:$0x3], $0xC000, $0x38;
	[tilespmem:$0x18000] =	vst v63  }
0x16: {  	_ =	swait.ge [sflag:s11], $0xC000  }
0x17: {  	[sflag:s11] =	ssyncset.done $0x0  }
0x18: {  	[sflag:s11] =	ssyncadd.s32 $0xFFFF4000  }
0x19: {  	_ =	swait.ge [sflag:s11], $0xC000  }
0x1a: {  	[sflag:s11] =	ssyncset.done $0x0  }
0x1b: {  	[sflag:s11] =	ssyncadd.s32 $0xFFFF4000  }
0x1c: {  	_ =	swait.ge [sflag:s11], $0xC000  }
0x1d: {  	[sflag:s11] =	ssyncset.done $0x0  }
0x1e: {  	[sflag:s11] =	ssyncadd.s32 $0xFFFF4000  }
0x1f: {  	_ =	swait.ge [sflag:s11], $0xC000  }
0x20: {  	s21 =	sadd.s32 $0x3000, s20;
	[sflag:s11] =	ssyncset.done $0x0  }
0x21: {  	s13 =	simm.s32 $0x2;
	s12 =	sadd.s32 s19, s21;
	[sflag:s11] =	ssyncadd.s32 $0xFFFF4000  }
0x22: {  	[tilespmem:s2], [sflag:$0x1] =	stream.linear.gather [hbm4b:s12+s2], $0xC000, $0x38;
	[tilespmem:$0x18000] =	vst v63  }
0x23: {  	_ =	swait.ge [sflag:s13], $0xC000  }
0x24: {  	[sflag:s13] =	ssyncset.done $0x0  }
0x25: {  	s14 =	sadd.s32 s24, s14;
	[sflag:s13] =	ssyncadd.s32 $0xFFFF4000  }
0x26: {  	[hbm4b:s14+s2] =	stream.linear.scatter [tilespmem:s5], [sflag:$0x4], $0xC000, $0x38;
	[tilespmem:$0x18000] =	vst v63  }
0x27: {  	s15 =	sadd.s32 $0xC1800, s7  }
0x28: {  	[hbm4b:s15+s2] =	stream.linear.scatter [tilespmem:s5], [sflag:$0x4], $0xC000, $0x38;
	[tilespmem:$0x18000] =	vst v63  }
0x29: {  	s16 =	sadd.s32 $0x181800, s7  }
0x2a: {  	[hbm4b:s16+s2] =	stream.linear.scatter [tilespmem:s5], [sflag:$0x4], $0xC000, $0x38;
	[tilespmem:$0x18000] =	vst v63  }
0x2b: {  	s17 =	simm.s32 $0x4;
	s18 =	sadd.s32 $0x241800, s7  }
0x2c: {  	[hbm4b:s18+s2] =	stream.linear.scatter [tilespmem:s5], [sflag:$0x4], $0xC000, $0x38;
	[tilespmem:$0x18000] =	vst v63  }
0x2d: {  	_ =	swait.ge [sflag:s17], $0xC000  }
0x2e: {  	[sflag:s17] =	ssyncset.done $0x0  }
0x2f: {  	[sflag:s17] =	ssyncadd.s32 $0xFFFF4000  }
0x30: {  	_ =	swait.ge [sflag:s17], $0xC000  }
0x31: {  	[sflag:s17] =	ssyncset.done $0x0  }
0x32: {  	[sflag:s17] =	ssyncadd.s32 $0xFFFF4000  }
0x33: {  	_ =	swait.ge [sflag:s17], $0xC000  }
0x34: {  	[sflag:s17] =	ssyncset.done $0x0  }
0x35: {  	[sflag:s17] =	ssyncadd.s32 $0xFFFF4000  }
0x36: {  	_ =	swait.ge [sflag:s17], $0xC000  }
0x37: {  	s25 =	sadd.s32 $0x4800, s20;
	[sflag:s17] =	ssyncset.done $0x0  }
0x38: {  	s19 =	sadd.s32 s19, s25;
	[sflag:s17] =	ssyncadd.s32 $0xFFFF4000  }
0x39: {  	[tilespmem:s5], [sflag:$0x2] =	stream.linear.gather [hbm4b:s19+s2], $0xC000, $0x38;
	[tilespmem:$0x18000] =	vst v63  }
0x3a: {  	_ =	swait.ge [sflag:s6], $0xC000  }
0x3b: {  	[sflag:s6] =	ssyncset.done $0x0  }
0x3c: {  	s20 =	sadd.s32 s24, s21;
	[sflag:s6] =	ssyncadd.s32 $0xFFFF4000  }
0x3d: {  	[hbm4b:s20+s2] =	stream.linear.scatter [tilespmem:s2], [sflag:$0x3], $0xC000, $0x38;
	[tilespmem:$0x18000] =	vst v63  }
0x3e: {  	s21 =	sadd.s32 $0xC3000, s7  }
0x3f: {  	[hbm4b:s21+s2] =	stream.linear.scatter [tilespmem:s2], [sflag:$0x3], $0xC000, $0x38;
	[tilespmem:$0x18000] =	vst v63  }
0x40: {  	s22 =	sadd.s32 $0x183000, s7  }
0x41: {  	[hbm4b:s22+s2] =	stream.linear.scatter [tilespmem:s2], [sflag:$0x3], $0xC000, $0x38;
	[tilespmem:$0x18000] =	vst v63  }
0x42: {  	s23 =	sadd.s32 $0x243000, s7  }
0x43: {  	[hbm4b:s23+s2] =	stream.linear.scatter [tilespmem:s2], [sflag:$0x3], $0xC000, $0x38;
	[tilespmem:$0x18000] =	vst v63  }
0x44: {  	_ =	swait.ge [sflag:s13], $0xC000  }
0x45: {  	[sflag:s13] =	ssyncset.done $0x0  }
0x46: {  	s24 =	sadd.s32 s24, s25;
	[sflag:s13] =	ssyncadd.s32 $0xFFFF4000  }
0x47: {  	[hbm4b:s24+s2] =	stream.linear.scatter [tilespmem:s5], [sflag:$0x4], $0xC000, $0x38;
	[tilespmem:$0x18000] =	vst v63  }
0x48: {  	s25 =	sadd.s32 $0xC4800, s7  }
0x49: {  	[hbm4b:s25+s2] =	stream.linear.scatter [tilespmem:s5], [sflag:$0x4], $0xC000, $0x38;
	[tilespmem:$0x18000] =	vst v63  }
0x4a: {  	s26 =	sadd.s32 $0x184800, s7  }
0x4b: {  	[hbm4b:s26+s2] =	stream.linear.scatter [tilespmem:s5], [sflag:$0x4], $0xC000, $0x38;
	[tilespmem:$0x18000] =	vst v63  }
0x4c: {  	s28 =	sadd.s32 $0x244800, s7  }
0x4d: {  	[hbm4b:s28+s2] =	stream.linear.scatter [tilespmem:s5], [sflag:$0x4], $0xC000, $0x38;
	[tilespmem:$0x18000] =	vst v63  }
0x4e: {  	_ =	swait.ge [sflag:s11], $0xC000  }
0x4f: {  	[sflag:s11] =	ssyncset.done $0x0  }
0x50: {  	[sflag:s11] =	ssyncadd.s32 $0xFFFF4000  }
0x51: {  	_ =	swait.ge [sflag:s11], $0xC000  }
0x52: {  	[sflag:s11] =	ssyncset.done $0x0  }
0x53: {  	[sflag:s11] =	ssyncadd.s32 $0xFFFF4000  }
0x54: {  	_ =	swait.ge [sflag:s11], $0xC000  }
0x55: {  	[sflag:s11] =	ssyncset.done $0x0  }
0x56: {  	[sflag:s11] =	ssyncadd.s32 $0xFFFF4000  }
0x57: {  	_ =	swait.ge [sflag:s11], $0xC000  }
0x58: {  	[sflag:s11] =	ssyncset.done $0x0  }
0x59: {  	[sflag:s11] =	ssyncadd.s32 $0xFFFF4000  }
0x5a: {  	_ =	swait.ge [sflag:s17], $0xC000  }
0x5b: {  	s29 =	ssub.s32 $0x2, s29;
	[sflag:s17] =	ssyncset.done $0x0  }
0x5c: {  	s30 =	sshrl.u32 s29, $0x1;
	[sflag:s17] =	ssyncadd.s32 $0xFFFF4000  }
0x5d: {  	s29 =	ssub.s32 s29, s30;
	_ =	swait.ge [sflag:s17], $0xC000  }
0x5e: {  	s29 =	smax.u32 s29, $0x1;
	[sflag:s17] =	ssyncset.done $0x0  }
0x5f: {  	p0 =	sne.s32 s29, $0x1;
	[sflag:s17] =	ssyncadd.s32 $0xFFFF4000  }
.Ltmp0:
0x60: {  	_ =	swait.ge [sflag:s17], $0xC000;
	(pc) =	sbr.rel @!p0 .LBB2_2-.Ltmp0, $4  }
0x61: {  	[sflag:s17] =	ssyncset.done $0x0  }
0x62: {  	[sflag:s17] =	ssyncadd.s32 $0xFFFF4000  }
0x63: {  	_ =	swait.ge [sflag:s17], $0xC000  }
0x64: {  	s29 =	sadd.s32 $0xFFFFFFFF, s29;
	[sflag:s17] =	ssyncset.done $0x0  }
.LBB2_1:
0x65: {  	p0 =	sne.s32 s29, $0x1;
	s29 =	sadd.s32 $0xFFFFFFFF, s29;
	[sflag:s17] =	ssyncadd.s32 $0xFFFF4000  }
0x66: {  	[tilespmem:s2], [sflag:$0x1] =	stream.linear.gather [hbm4b:s3+s2], $0xC000, $0x38;
	[tilespmem:$0x18000] =	vst v63  }
0x67: {  	_ = 	snop  }
0x68: {  	[tilespmem:s5], [sflag:$0x2] =	stream.linear.gather [hbm4b:s4+s2], $0xC000, $0x38;
	[tilespmem:$0x18000] =	vst v63  }
0x69: {  	_ =	swait.ge [sflag:s6], $0xC000  }
0x6a: {  	[sflag:s6] =	ssyncset.done $0x0  }
0x6b: {  	[sflag:s6] =	ssyncadd.s32 $0xFFFF4000  }
0x6c: {  	[hbm4b:s7+s2] =	stream.linear.scatter [tilespmem:s2], [sflag:$0x3], $0xC000, $0x38;
	[tilespmem:$0x18000] =	vst v63  }
0x6d: {  	_ = 	snop  }
0x6e: {  	[hbm4b:s8+s2] =	stream.linear.scatter [tilespmem:s2], [sflag:$0x3], $0xC000, $0x38;
	[tilespmem:$0x18000] =	vst v63  }
0x6f: {  	_ = 	snop  }
0x70: {  	[hbm4b:s9+s2] =	stream.linear.scatter [tilespmem:s2], [sflag:$0x3], $0xC000, $0x38;
	[tilespmem:$0x18000] =	vst v63  }
0x71: {  	_ = 	snop  }
0x72: {  	[hbm4b:s10+s2] =	stream.linear.scatter [tilespmem:s2], [sflag:$0x3], $0xC000, $0x38;
	[tilespmem:$0x18000] =	vst v63  }
0x73: {  	_ =	swait.ge [sflag:s11], $0xC000  }
0x74: {  	[sflag:s11] =	ssyncset.done $0x0  }
0x75: {  	[sflag:s11] =	ssyncadd.s32 $0xFFFF4000  }
0x76: {  	_ =	swait.ge [sflag:s11], $0xC000  }
0x77: {  	[sflag:s11] =	ssyncset.done $0x0  }
0x78: {  	[sflag:s11] =	ssyncadd.s32 $0xFFFF4000  }
0x79: {  	_ =	swait.ge [sflag:s11], $0xC000  }
0x7a: {  	[sflag:s11] =	ssyncset.done $0x0  }
0x7b: {  	[sflag:s11] =	ssyncadd.s32 $0xFFFF4000  }
0x7c: {  	_ =	swait.ge [sflag:s11], $0xC000  }
0x7d: {  	[sflag:s11] =	ssyncset.done $0x0  }
0x7e: {  	[sflag:s11] =	ssyncadd.s32 $0xFFFF4000  }
0x7f: {  	[tilespmem:s2], [sflag:$0x1] =	stream.linear.gather [hbm4b:s12+s2], $0xC000, $0x38;
	[tilespmem:$0x18000] =	vst v63  }
0x80: {  	_ =	swait.ge [sflag:s13], $0xC000  }
0x81: {  	[sflag:s13] =	ssyncset.done $0x0  }
0x82: {  	[sflag:s13] =	ssyncadd.s32 $0xFFFF4000  }
0x83: {  	[hbm4b:s14+s2] =	stream.linear.scatter [tilespmem:s5], [sflag:$0x4], $0xC000, $0x38;
	[tilespmem:$0x18000] =	vst v63  }
0x84: {  	_ = 	snop  }
0x85: {  	[hbm4b:s15+s2] =	stream.linear.scatter [tilespmem:s5], [sflag:$0x4], $0xC000, $0x38;
	[tilespmem:$0x18000] =	vst v63  }
0x86: {  	_ = 	snop  }
0x87: {  	[hbm4b:s16+s2] =	stream.linear.scatter [tilespmem:s5], [sflag:$0x4], $0xC000, $0x38;
	[tilespmem:$0x18000] =	vst v63  }
0x88: {  	_ = 	snop  }
0x89: {  	[hbm4b:s18+s2] =	stream.linear.scatter [tilespmem:s5], [sflag:$0x4], $0xC000, $0x38;
	[tilespmem:$0x18000] =	vst v63  }
0x8a: {  	_ =	swait.ge [sflag:s17], $0xC000  }
0x8b: {  	[sflag:s17] =	ssyncset.done $0x0  }
0x8c: {  	[sflag:s17] =	ssyncadd.s32 $0xFFFF4000  }
0x8d: {  	_ =	swait.ge [sflag:s17], $0xC000  }
0x8e: {  	[sflag:s17] =	ssyncset.done $0x0  }
0x8f: {  	[sflag:s17] =	ssyncadd.s32 $0xFFFF4000  }
0x90: {  	_ =	swait.ge [sflag:s17], $0xC000  }
0x91: {  	[sflag:s17] =	ssyncset.done $0x0  }
0x92: {  	[sflag:s17] =	ssyncadd.s32 $0xFFFF4000  }
0x93: {  	_ =	swait.ge [sflag:s17], $0xC000  }
0x94: {  	[sflag:s17] =	ssyncset.done $0x0  }
0x95: {  	[sflag:s17] =	ssyncadd.s32 $0xFFFF4000  }
0x96: {  	[tilespmem:s5], [sflag:$0x2] =	stream.linear.gather [hbm4b:s19+s2], $0xC000, $0x38;
	[tilespmem:$0x18000] =	vst v63  }
0x97: {  	_ =	swait.ge [sflag:s6], $0xC000  }
0x98: {  	[sflag:s6] =	ssyncset.done $0x0  }
0x99: {  	[sflag:s6] =	ssyncadd.s32 $0xFFFF4000  }
0x9a: {  	[hbm4b:s20+s2] =	stream.linear.scatter [tilespmem:s2], [sflag:$0x3], $0xC000, $0x38;
	[tilespmem:$0x18000] =	vst v63  }
0x9b: {  	_ = 	snop  }
0x9c: {  	[hbm4b:s21+s2] =	stream.linear.scatter [tilespmem:s2], [sflag:$0x3], $0xC000, $0x38;
	[tilespmem:$0x18000] =	vst v63  }
0x9d: {  	_ = 	snop  }
0x9e: {  	[hbm4b:s22+s2] =	stream.linear.scatter [tilespmem:s2], [sflag:$0x3], $0xC000, $0x38;
	[tilespmem:$0x18000] =	vst v63  }
0x9f: {  	_ = 	snop  }
0xa0: {  	[hbm4b:s23+s2] =	stream.linear.scatter [tilespmem:s2], [sflag:$0x3], $0xC000, $0x38;
	[tilespmem:$0x18000] =	vst v63  }
0xa1: {  	_ =	swait.ge [sflag:s13], $0xC000  }
0xa2: {  	[sflag:s13] =	ssyncset.done $0x0  }
0xa3: {  	[sflag:s13] =	ssyncadd.s32 $0xFFFF4000  }
0xa4: {  	[hbm4b:s24+s2] =	stream.linear.scatter [tilespmem:s5], [sflag:$0x4], $0xC000, $0x38;
	[tilespmem:$0x18000] =	vst v63  }
0xa5: {  	_ = 	snop  }
0xa6: {  	[hbm4b:s25+s2] =	stream.linear.scatter [tilespmem:s5], [sflag:$0x4], $0xC000, $0x38;
	[tilespmem:$0x18000] =	vst v63  }
0xa7: {  	_ = 	snop  }
0xa8: {  	[hbm4b:s26+s2] =	stream.linear.scatter [tilespmem:s5], [sflag:$0x4], $0xC000, $0x38;
	[tilespmem:$0x18000] =	vst v63  }
0xa9: {  	_ = 	snop  }
0xaa: {  	[hbm4b:s28+s2] =	stream.linear.scatter [tilespmem:s5], [sflag:$0x4], $0xC000, $0x38;
	[tilespmem:$0x18000] =	vst v63  }
0xab: {  	_ =	swait.ge [sflag:s11], $0xC000  }
0xac: {  	[sflag:s11] =	ssyncset.done $0x0  }
0xad: {  	[sflag:s11] =	ssyncadd.s32 $0xFFFF4000  }
0xae: {  	_ =	swait.ge [sflag:s11], $0xC000  }
0xaf: {  	[sflag:s11] =	ssyncset.done $0x0  }
0xb0: {  	[sflag:s11] =	ssyncadd.s32 $0xFFFF4000  }
0xb1: {  	_ =	swait.ge [sflag:s11], $0xC000  }
0xb2: {  	[sflag:s11] =	ssyncset.done $0x0  }
0xb3: {  	[sflag:s11] =	ssyncadd.s32 $0xFFFF4000  }
0xb4: {  	_ =	swait.ge [sflag:s11], $0xC000  }
0xb5: {  	[sflag:s11] =	ssyncset.done $0x0  }
0xb6: {  	[sflag:s11] =	ssyncadd.s32 $0xFFFF4000  }
0xb7: {  	_ =	swait.ge [sflag:s17], $0xC000  }
0xb8: {  	[sflag:s17] =	ssyncset.done $0x0  }
0xb9: {  	[sflag:s17] =	ssyncadd.s32 $0xFFFF4000  }
0xba: {  	_ =	swait.ge [sflag:s17], $0xC000  }
0xbb: {  	[sflag:s17] =	ssyncset.done $0x0  }
0xbc: {  	[sflag:s17] =	ssyncadd.s32 $0xFFFF4000  }
.Ltmp1:
0xbd: {  	_ =	swait.ge [sflag:s17], $0xC000;
	(pc) =	sbr.rel @p0 .LBB2_1-.Ltmp1, $4  }
0xbe: {  	[sflag:s17] =	ssyncset.done $0x0  }
0xbf: {  	[sflag:s17] =	ssyncadd.s32 $0xFFFF4000  }
0xc0: {  	_ =	swait.ge [sflag:s17], $0xC000  }
0xc1: {  	[sflag:s17] =	ssyncset.done $0x0  }
.LBB2_2:
0xc2: {  	[sflag:s17] =	ssyncadd.s32 $0xFFFF4000  }
0xc3: {  	_ =	sfence.sel $0x180000  }
0xc4: {  	[bflag:$0x0] =	sbarrier.arrive $0xFFFF  }
0xc5: {  	p0 =	sne.s32 s0, $0x0;
	_ =	strace $0x90000047  }
0xc6: {  	s0 =	sadd.s32 @!p0 $0x100000, s1;
	[bflag:$0x2] =	sbarrier.arrive $0xFFFF  }
0xc7: {  	[sflag:s0] =	ssyncadd.tile.s32 @!p0 $0x1;
	_ =	shalt  }
.Lfunc_end2:
_tile_overlayer_lowered:
.L_overlay_start_2:
0xc8: {  	(tag) =	ssettag $0x2  }
0xc9: {  	s0 =	rddreg [dreg:$0x0];
	s2 =	stileid.u32  }
0xca: {  	s1 =	rddreg [dreg:$0x1];
	p0 =	sne.s32 s2, $0x0  }
0xcb: {  	s3 =	rddreg [dreg:$0x2];
	[bflag:$0x3] =	sbarrier.arrive $0xFFFF;
	s2 =	simm.s32 @!p0 $0x1C05  }
0xcc: {  	[timem:s3], [sflag:s2] =	dma.local @!p0 [hbm:s0], s1  }
0xcd: {  	s0 =	simm.s32 @!p0 $0x5  }
0xce: {  	_ =	swait.ge @!p0 [sflag:s0], s1  }
0xcf: {  	s1 =	ssub.s32 @!p0 $0x0, s1;
	[sflag:s0] =	ssyncset.done @!p0 $0x0  }
0xd0: {  	[sflag:s0] =	ssyncadd.s32 @!p0 s1  }
0xd1: {  	[bflag:$0x3] =	sbarrier.arrive $0xFFFF  }
0xd2: {  	_ =	shalt  }

</sc_bundles>
